<compile_context>
chip_gen: v7x
topology: tpu7x:2x2x1
jax: 0.10.2.dev20260603
libtpu: 0.0.44.dev20260713+nightly
codegen_flags: <defaults>
</compile_context>

<pallas_src>
import functools

import jax
import jax.numpy as jnp
from jax import lax
from jax.experimental import pallas as pl
from jax.experimental.pallas import tpu as pltpu
from jax.experimental.pallas import tpu_sc as plsc

PRE_SEQ_LEN = 128
OUT_DIM = 12 * 2 * 768
BATCH = 32

NC = 2
NS = 16

SP_TOTAL = 12288
SP_COLS = SP_TOTAL // NC
TL_COLS = (OUT_DIM - SP_TOTAL) // NS
TL_BATCHES = BATCH // NC
BATCHES_PER_TILE = BATCH // NS
TAB_ROWS_PER_TILE = PRE_SEQ_LEN // NS


def _body(prefix_hbm, table_hbm, out_hbm, spmem, tab_v, idx_v, sem_sp, sem_tl,
          sem_stage):
    c = lax.axis_index("c")
    s = lax.axis_index("s")
    sp0 = c * SP_COLS
    tl0 = SP_TOTAL + s * TL_COLS
    b0 = c * TL_BATCHES

    tr0 = s * TAB_ROWS_PER_TILE
    stage = pltpu.async_copy(
        table_hbm.at[pl.ds(tr0, TAB_ROWS_PER_TILE), pl.ds(sp0, SP_COLS)],
        spmem.at[pl.ds(tr0, TAB_ROWS_PER_TILE), :],
        sem_stage,
    )

    pltpu.sync_copy(prefix_hbm, idx_v)
    pltpu.sync_copy(table_hbm.at[:, pl.ds(tl0, TL_COLS)], tab_v)

    def issue_tl(k, carry):
        batch = b0 + k // (PRE_SEQ_LEN // 16)
        row0 = (k % (PRE_SEQ_LEN // 16)) * 16
        v = idx_v[batch, pl.ds(row0, 16)]
        for j in range(16):
            pltpu.async_copy(
                tab_v.at[v[j]],
                out_hbm.at[batch, row0 + j, pl.ds(tl0, TL_COLS)],
                sem_tl,
            )
        return carry

    n_tl = TL_BATCHES * PRE_SEQ_LEN // 16
    lax.fori_loop(0, n_tl, issue_tl, 0)

    stage.wait()
    plsc.subcore_barrier()

    def issue_sp(k, carry):
        r0 = k * 16
        batch = s * BATCHES_PER_TILE + r0 // PRE_SEQ_LEN
        row0 = r0 % PRE_SEQ_LEN
        v = idx_v[batch, pl.ds(row0, 16)]
        for j in range(16):
            pltpu.async_copy(
                spmem.at[v[j]],
                out_hbm.at[batch, row0 + j, pl.ds(sp0, SP_COLS)],
                sem_sp,
            )
        return carry

    n_sp = BATCHES_PER_TILE * PRE_SEQ_LEN // 16
    lax.fori_loop(0, n_sp, issue_sp, 0)

    def drain_tl(k, carry):
        pltpu.make_async_copy(
            tab_v.at[0],
            out_hbm.at[b0, 0, pl.ds(tl0, TL_COLS)],
            sem_tl,
        ).wait()
        return carry

    lax.fori_loop(0, n_tl * 16, drain_tl, 0)

    def drain_sp(k, carry):
        pltpu.make_async_copy(
            spmem.at[0],
            out_hbm.at[s * BATCHES_PER_TILE, 0, pl.ds(sp0, SP_COLS)],
            sem_sp,
        ).wait()
        return carry

    lax.fori_loop(0, n_sp * 16, drain_sp, 0)


_gather = functools.partial(
    pl.kernel,
    out_type=jax.ShapeDtypeStruct((BATCH, PRE_SEQ_LEN, OUT_DIM), jnp.float32),
    mesh=plsc.VectorSubcoreMesh(core_axis_name="c", subcore_axis_name="s"),
    scratch_types=[
        pltpu.VMEM_SHARED((PRE_SEQ_LEN, SP_COLS), jnp.float32),
        pltpu.VMEM((PRE_SEQ_LEN, TL_COLS), jnp.float32),
        pltpu.VMEM((BATCH, PRE_SEQ_LEN), jnp.int32),
        pltpu.SemaphoreType.DMA,
        pltpu.SemaphoreType.DMA,
        pltpu.SemaphoreType.DMA,
    ],
    compiler_params=pltpu.CompilerParams(use_tc_tiling_on_sc=True),
)(_body)


@jax.jit
def kernel(prefix, emb_table):
    return _gather(prefix.astype(jnp.int32), emb_table)

# --- scband reference (transcript-rebuilt; emitter-appended) ---
"""Pipeline reference for scband-prefix-encoder-36842229465613 (READ-ONLY COPY).

The authoritative reference and input builder live on the scoring server;
editing this copy changes nothing except your own understanding.
"""

import jax, jax.numpy as jnp
import numpy as np

PRE_SEQ_LEN = 128
OUT_DIM = 12 * 2 * 768  # num_hidden_layers * 2 * hidden_size = 18432
BATCH = 32


def setup_inputs(seed: int = 0) -> dict:
    key = jax.random.key(seed)
    k1, k2 = jax.random.split(key)
    prefix = jax.random.randint(k1, (BATCH, PRE_SEQ_LEN), 0, PRE_SEQ_LEN, dtype=jnp.int64 if jax.config.jax_enable_x64 else jnp.int32)
    # embedding table: (pre_seq_len, num_hidden_layers * 2 * hidden_size)
    emb_table = jax.random.normal(k2, (PRE_SEQ_LEN, OUT_DIM), dtype=jnp.float32) * 0.02
    return {"prefix": prefix, "emb_table": emb_table}


def reference(prefix, emb_table):
    # prefix_projection == False: single embedding lookup
    past_key_values = jnp.take(emb_table, prefix, axis=0)
    return past_key_values

if __name__ == "__main__":
    import jax
    _d = setup_inputs()
    print(jax.jit(kernel)(*tuple(_d.values())))

</pallas_src>

<mosaic_0001>
#map = affine_map<(d0, d1) -> (0, 0)>
#map1 = affine_map<(d0, d1) -> (0, 0, 0)>
module attributes {stable_mosaic.version = 14 : i64} {
  func.func @_body(%arg0: i32, %arg1: i32, %arg2: memref<32x128xi32, #tpu.memory_space<hbm>>, %arg3: memref<128x18432xf32, #tpu.memory_space<hbm>>, %arg4: memref<32x128x18432xf32, #tpu.memory_space<hbm>>, %arg5: memref<128x6144xf32, #tpu.memory_space<vmem_shared>>, %arg6: memref<128x384xf32, #tpu.memory_space<vmem>>, %arg7: memref<32x128xi32, #tpu.memory_space<vmem>>, %arg8: memref<!tpu.dma_semaphore, #tpu.memory_space<semaphore_mem>>, %arg9: memref<!tpu.dma_semaphore, #tpu.memory_space<semaphore_mem>>, %arg10: memref<!tpu.dma_semaphore, #tpu.memory_space<semaphore_mem>>) attributes {dimension_semantics = [#tpu.dimension_semantics<core_parallel>, #tpu.dimension_semantics<subcore_parallel>], iteration_bounds = array<i64: 2, 16>, scalar_prefetch = 0 : i64, scratch_operands = 6 : i64, tpu.core_type = #tpu.core_type<sc_vector_subcore>, window_params = [{transform_indices = #map}, {transform_indices = #map}, {transform_indices = #map1}]} {
    %mul3A = arith.constant 6144 : i32
    %mul3A_0 = arith.muli %arg0, %mul3A : i32
    %mul3A_1 = arith.constant 384 : i32
    %mul3A_2 = arith.muli %arg1, %mul3A_1 : i32
    %add3A = arith.constant 12288 : i32
    %add3A_3 = arith.addi %add3A, %mul3A_2 : i32
    %mul3A_4 = arith.constant 16 : i32
    %mul3A_5 = arith.muli %arg0, %mul3A_4 : i32
    %mul3A_6 = arith.constant 8 : i32
    %mul3A_7 = arith.muli %arg1, %mul3A_6 : i32
    %dma_start3A = arith.constant 0 : i32
    %dma_start3A_8 = tpu.memref_slice %arg5[%mul3A_7, %dma_start3A] : memref<128x6144xf32, #tpu.memory_space<vmem_shared>> -> memref<8x6144xf32, #tpu.memory_space<vmem_shared>>
    %dma_start3A_9 = tpu.memref_slice %arg3[%mul3A_7, %mul3A_0] : memref<128x18432xf32, #tpu.memory_space<hbm>> -> memref<8x6144xf32, #tpu.memory_space<hbm>>
    tpu.enqueue_dma source(%dma_start3A_9 : memref<8x6144xf32, #tpu.memory_space<hbm>>) target(%dma_start3A_8 : memref<8x6144xf32, #tpu.memory_space<vmem_shared>>) target_semaphore(%arg10 : memref<!tpu.dma_semaphore, #tpu.memory_space<semaphore_mem>>)
    "tpu.region"() ({
      %run_scoped3A = tpu.sem_alloc : memref<!tpu.dma_semaphore, #tpu.memory_space<semaphore_mem>>
      tpu.enqueue_dma source(%arg2 : memref<32x128xi32, #tpu.memory_space<hbm>>) target(%arg7 : memref<32x128xi32, #tpu.memory_space<vmem>>) target_semaphore(%run_scoped3A : memref<!tpu.dma_semaphore, #tpu.memory_space<semaphore_mem>>)
      tpu.wait_dma2 semaphore(%run_scoped3A : memref<!tpu.dma_semaphore, #tpu.memory_space<semaphore_mem>>) src(%arg2 : memref<32x128xi32, #tpu.memory_space<hbm>>) dst(%arg7 : memref<32x128xi32, #tpu.memory_space<vmem>>)
      tpu.yield
    }) : () -> ()
    "tpu.region"() ({
      %run_scoped3A = tpu.sem_alloc : memref<!tpu.dma_semaphore, #tpu.memory_space<semaphore_mem>>
      %dma_start3A_35 = arith.constant 0 : i32
      %dma_start3A_36 = tpu.memref_slice %arg3[%dma_start3A_35, %add3A_3] : memref<128x18432xf32, #tpu.memory_space<hbm>> -> memref<128x384xf32, #tpu.memory_space<hbm>>
      %dma_start3A_37 = arith.constant 0 : i32
      %dma_start3A_38 = tpu.memref_slice %arg3[%dma_start3A_37, %add3A_3] : memref<128x18432xf32, #tpu.memory_space<hbm>> -> memref<128x384xf32, #tpu.memory_space<hbm>>
      tpu.enqueue_dma source(%dma_start3A_38 : memref<128x384xf32, #tpu.memory_space<hbm>>) target(%arg6 : memref<128x384xf32, #tpu.memory_space<vmem>>) target_semaphore(%run_scoped3A : memref<!tpu.dma_semaphore, #tpu.memory_space<semaphore_mem>>)
      %dma_wait3A_39 = arith.constant 0 : i32
      %dma_wait3A_40 = tpu.memref_slice %arg3[%dma_wait3A_39, %add3A_3] : memref<128x18432xf32, #tpu.memory_space<hbm>> -> memref<128x384xf32, #tpu.memory_space<hbm>>
      %dma_wait3A_41 = arith.constant 0 : i32
      %dma_wait3A_42 = tpu.memref_slice %arg3[%dma_wait3A_41, %add3A_3] : memref<128x18432xf32, #tpu.memory_space<hbm>> -> memref<128x384xf32, #tpu.memory_space<hbm>>
      tpu.wait_dma2 semaphore(%run_scoped3A : memref<!tpu.dma_semaphore, #tpu.memory_space<semaphore_mem>>) src(%dma_wait3A_42 : memref<128x384xf32, #tpu.memory_space<hbm>>) dst(%arg6 : memref<128x384xf32, #tpu.memory_space<vmem>>)
      tpu.yield
    }) : () -> ()
    %scan3A = arith.constant 0 : i32
    %scan3A_10 = arith.constant 0 : i32
    %scan3A_11 = arith.constant 128 : i32
    %scan3A_12 = arith.addi %scan3A_10, %scan3A_11 : i32
    %scan3A_13 = arith.constant 1 : i32
    scf.for %scan3A_35 = %scan3A_10 to %scan3A_12 step %scan3A_13  : i32 {
      %jit3A = arith.constant 8 : i32
      %div3A = arith.divsi %scan3A_35, %jit3A : i32
      %sign3A = arith.constant 0 : i32
      %sign3A_36 = arith.cmpi sgt, %scan3A_35, %sign3A : i32
      %sign3A_37 = arith.extui %sign3A_36 : i1 to i32
      %sign3A_38 = arith.constant 0 : i32
      %sign3A_39 = arith.cmpi slt, %scan3A_35, %sign3A_38 : i32
      %sign3A_40 = arith.extui %sign3A_39 : i1 to i32
      %sign3A_41 = arith.subi %sign3A_37, %sign3A_40 : i32
      %sign3A_42 = arith.constant 0 : i32
      %sign3A_43 = arith.cmpi sgt, %jit3A, %sign3A_42 : i32
      %sign3A_44 = arith.extui %sign3A_43 : i1 to i32
      %sign3A_45 = arith.constant 0 : i32
      %sign3A_46 = arith.cmpi slt, %jit3A, %sign3A_45 : i32
      %sign3A_47 = arith.extui %sign3A_46 : i1 to i32
      %sign3A_48 = arith.subi %sign3A_44, %sign3A_47 : i32
      %ne3A = arith.cmpi ne, %sign3A_41, %sign3A_48 : i32
      %rem3A = arith.remsi %scan3A_35, %jit3A : i32
      %ne3A_49 = arith.constant 0 : i32
      %ne3A_50 = arith.cmpi ne, %rem3A, %ne3A_49 : i32
      %and3A = arith.andi %ne3A, %ne3A_50 : i1
      %sub3A = arith.constant 1 : i32
      %sub3A_51 = arith.subi %div3A, %sub3A : i32
      %select_n3A = arith.select %and3A, %sub3A_51, %div3A : i32
      %add3A_52 = arith.addi %mul3A_5, %select_n3A : i32
      %jit3A_53 = arith.constant 8 : i32
      %eq3A = arith.constant 0 : i32
      %eq3A_54 = arith.cmpi eq, %jit3A_53, %eq3A : i32
      %jit3A_55 = arith.constant 1 : i32
      %select_n3A_56 = arith.select %eq3A_54, %jit3A_55, %jit3A_53 : i32
      %rem3A_57 = arith.remsi %scan3A_35, %select_n3A_56 : i32
      %ne3A_58 = arith.constant 0 : i32
      %ne3A_59 = arith.cmpi ne, %rem3A_57, %ne3A_58 : i32
      %lt3A = arith.constant 0 : i32
      %lt3A_60 = arith.cmpi slt, %rem3A_57, %lt3A : i32
      %lt3A_61 = arith.constant 0 : i32
      %lt3A_62 = arith.cmpi slt, %select_n3A_56, %lt3A_61 : i32
      %ne3A_63 = arith.xori %lt3A_60, %lt3A_62 : i1
      %and3A_64 = arith.andi %ne3A_63, %ne3A_59 : i1
      %add3A_65 = arith.addi %rem3A_57, %select_n3A_56 : i32
      %select_n3A_66 = arith.select %and3A_64, %add3A_65, %rem3A_57 : i32
      %mul3A_67 = arith.constant 16 : i32
      %mul3A_68 = arith.muli %select_n3A_66, %mul3A_67 : i32
      %get3A = arith.index_cast %add3A_52 : i32 to index
      %get3A_69 = arith.index_cast %mul3A_68 : i32 to index
      %get3A_70 = tpu.vector_load %arg7[%get3A, %get3A_69] {strides = array<i32>} : memref<32x128xi32, #tpu.memory_space<vmem>>, vector<1x16xi32>,
      %get3A_71 = vector.shape_cast %get3A_70 : vector<1x16xi32> to vector<16xi32>
      %slice3A = vector.extract_strided_slice %get3A_71 {offsets = [0], sizes = [1], strides = [1]} : vector<16xi32> to vector<1xi32>
      %squeeze3A = vector.extract %slice3A[0] : i32 from vector<1xi32>
      %add3A_72 = arith.constant 0 : i32
      %add3A_73 = arith.addi %mul3A_68, %add3A_72 : i32
      %dma_start3A_74 = arith.constant 0 : i32
      %dma_start3A_75 = tpu.memref_slice %arg6[%squeeze3A, %dma_start3A_74] : memref<128x384xf32, #tpu.memory_space<vmem>> -> memref<1x384xf32, #tpu.memory_space<vmem>>
      %dma_start3A_76 = tpu.memref_squeeze %dma_start3A_75 : memref<1x384xf32, #tpu.memory_space<vmem>> -> memref<384xf32, #tpu.memory_space<vmem>>
      %dma_start3A_77 = tpu.memref_slice %arg4[%add3A_52, %add3A_73, %add3A_3] : memref<32x128x18432xf32, #tpu.memory_space<hbm>> -> memref<1x1x384xf32, #tpu.memory_space<hbm>>
      %dma_start3A_78 = tpu.memref_squeeze %dma_start3A_77 : memref<1x1x384xf32, #tpu.memory_space<hbm>> -> memref<384xf32, #tpu.memory_space<hbm>>
      %dma_start3A_79 = tpu.memref_slice %arg4[%add3A_52, %add3A_73, %add3A_3] : memref<32x128x18432xf32, #tpu.memory_space<hbm>> -> memref<1x1x384xf32, #tpu.memory_space<hbm>>
      %dma_start3A_80 = tpu.memref_squeeze %dma_start3A_79 : memref<1x1x384xf32, #tpu.memory_space<hbm>> -> memref<384xf32, #tpu.memory_space<hbm>>
      %dma_start3A_81 = arith.constant 0 : i32
      %dma_start3A_82 = tpu.memref_slice %arg6[%squeeze3A, %dma_start3A_81] : memref<128x384xf32, #tpu.memory_space<vmem>> -> memref<1x384xf32, #tpu.memory_space<vmem>>
      %dma_start3A_83 = tpu.memref_squeeze %dma_start3A_82 : memref<1x384xf32, #tpu.memory_space<vmem>> -> memref<384xf32, #tpu.memory_space<vmem>>
      tpu.enqueue_dma source(%dma_start3A_83 : memref<384xf32, #tpu.memory_space<vmem>>) target(%dma_start3A_80 : memref<384xf32, #tpu.memory_space<hbm>>) target_semaphore(%arg9 : memref<!tpu.dma_semaphore, #tpu.memory_space<semaphore_mem>>)
      %slice3A_84 = vector.extract_strided_slice %get3A_71 {offsets = [1], sizes = [1], strides = [1]} : vector<16xi32> to vector<1xi32>
      %squeeze3A_85 = vector.extract %slice3A_84[0] : i32 from vector<1xi32>
      %add3A_86 = arith.constant 1 : i32
      %add3A_87 = arith.addi %mul3A_68, %add3A_86 : i32
      %dma_start3A_88 = arith.constant 0 : i32
      %dma_start3A_89 = tpu.memref_slice %arg6[%squeeze3A_85, %dma_start3A_88] : memref<128x384xf32, #tpu.memory_space<vmem>> -> memref<1x384xf32, #tpu.memory_space<vmem>>
      %dma_start3A_90 = tpu.memref_squeeze %dma_start3A_89 : memref<1x384xf32, #tpu.memory_space<vmem>> -> memref<384xf32, #tpu.memory_space<vmem>>
      %dma_start3A_91 = tpu.memref_slice %arg4[%add3A_52, %add3A_87, %add3A_3] : memref<32x128x18432xf32, #tpu.memory_space<hbm>> -> memref<1x1x384xf32, #tpu.memory_space<hbm>>
      %dma_start3A_92 = tpu.memref_squeeze %dma_start3A_91 : memref<1x1x384xf32, #tpu.memory_space<hbm>> -> memref<384xf32, #tpu.memory_space<hbm>>
      %dma_start3A_93 = tpu.memref_slice %arg4[%add3A_52, %add3A_87, %add3A_3] : memref<32x128x18432xf32, #tpu.memory_space<hbm>> -> memref<1x1x384xf32, #tpu.memory_space<hbm>>
      %dma_start3A_94 = tpu.memref_squeeze %dma_start3A_93 : memref<1x1x384xf32, #tpu.memory_space<hbm>> -> memref<384xf32, #tpu.memory_space<hbm>>
      %dma_start3A_95 = arith.constant 0 : i32
      %dma_start3A_96 = tpu.memref_slice %arg6[%squeeze3A_85, %dma_start3A_95] : memref<128x384xf32, #tpu.memory_space<vmem>> -> memref<1x384xf32, #tpu.memory_space<vmem>>
      %dma_start3A_97 = tpu.memref_squeeze %dma_start3A_96 : memref<1x384xf32, #tpu.memory_space<vmem>> -> memref<384xf32, #tpu.memory_space<vmem>>
      tpu.enqueue_dma source(%dma_start3A_97 : memref<384xf32, #tpu.memory_space<vmem>>) target(%dma_start3A_94 : memref<384xf32, #tpu.memory_space<hbm>>) target_semaphore(%arg9 : memref<!tpu.dma_semaphore, #tpu.memory_space<semaphore_mem>>)
      %slice3A_98 = vector.extract_strided_slice %get3A_71 {offsets = [2], sizes = [1], strides = [1]} : vector<16xi32> to vector<1xi32>
      %squeeze3A_99 = vector.extract %slice3A_98[0] : i32 from vector<1xi32>
      %add3A_100 = arith.constant 2 : i32
      %add3A_101 = arith.addi %mul3A_68, %add3A_100 : i32
      %dma_start3A_102 = arith.constant 0 : i32
      %dma_start3A_103 = tpu.memref_slice %arg6[%squeeze3A_99, %dma_start3A_102] : memref<128x384xf32, #tpu.memory_space<vmem>> -> memref<1x384xf32, #tpu.memory_space<vmem>>
      %dma_start3A_104 = tpu.memref_squeeze %dma_start3A_103 : memref<1x384xf32, #tpu.memory_space<vmem>> -> memref<384xf32, #tpu.memory_space<vmem>>
      %dma_start3A_105 = tpu.memref_slice %arg4[%add3A_52, %add3A_101, %add3A_3] : memref<32x128x18432xf32, #tpu.memory_space<hbm>> -> memref<1x1x384xf32, #tpu.memory_space<hbm>>
      %dma_start3A_106 = tpu.memref_squeeze %dma_start3A_105 : memref<1x1x384xf32, #tpu.memory_space<hbm>> -> memref<384xf32, #tpu.memory_space<hbm>>
      %dma_start3A_107 = tpu.memref_slice %arg4[%add3A_52, %add3A_101, %add3A_3] : memref<32x128x18432xf32, #tpu.memory_space<hbm>> -> memref<1x1x384xf32, #tpu.memory_space<hbm>>
      %dma_start3A_108 = tpu.memref_squeeze %dma_start3A_107 : memref<1x1x384xf32, #tpu.memory_space<hbm>> -> memref<384xf32, #tpu.memory_space<hbm>>
      %dma_start3A_109 = arith.constant 0 : i32
      %dma_start3A_110 = tpu.memref_slice %arg6[%squeeze3A_99, %dma_start3A_109] : memref<128x384xf32, #tpu.memory_space<vmem>> -> memref<1x384xf32, #tpu.memory_space<vmem>>
      %dma_start3A_111 = tpu.memref_squeeze %dma_start3A_110 : memref<1x384xf32, #tpu.memory_space<vmem>> -> memref<384xf32, #tpu.memory_space<vmem>>
      tpu.enqueue_dma source(%dma_start3A_111 : memref<384xf32, #tpu.memory_space<vmem>>) target(%dma_start3A_108 : memref<384xf32, #tpu.memory_space<hbm>>) target_semaphore(%arg9 : memref<!tpu.dma_semaphore, #tpu.memory_space<semaphore_mem>>)
      %slice3A_112 = vector.extract_strided_slice %get3A_71 {offsets = [3], sizes = [1], strides = [1]} : vector<16xi32> to vector<1xi32>
      %squeeze3A_113 = vector.extract %slice3A_112[0] : i32 from vector<1xi32>
      %add3A_114 = arith.constant 3 : i32
      %add3A_115 = arith.addi %mul3A_68, %add3A_114 : i32
      %dma_start3A_116 = arith.constant 0 : i32
      %dma_start3A_117 = tpu.memref_slice %arg6[%squeeze3A_113, %dma_start3A_116] : memref<128x384xf32, #tpu.memory_space<vmem>> -> memref<1x384xf32, #tpu.memory_space<vmem>>
      %dma_start3A_118 = tpu.memref_squeeze %dma_start3A_117 : memref<1x384xf32, #tpu.memory_space<vmem>> -> memref<384xf32, #tpu.memory_space<vmem>>
      %dma_start3A_119 = tpu.memref_slice %arg4[%add3A_52, %add3A_115, %add3A_3] : memref<32x128x18432xf32, #tpu.memory_space<hbm>> -> memref<1x1x384xf32, #tpu.memory_space<hbm>>
      %dma_start3A_120 = tpu.memref_squeeze %dma_start3A_119 : memref<1x1x384xf32, #tpu.memory_space<hbm>> -> memref<384xf32, #tpu.memory_space<hbm>>
      %dma_start3A_121 = tpu.memref_slice %arg4[%add3A_52, %add3A_115, %add3A_3] : memref<32x128x18432xf32, #tpu.memory_space<hbm>> -> memref<1x1x384xf32, #tpu.memory_space<hbm>>
      %dma_start3A_122 = tpu.memref_squeeze %dma_start3A_121 : memref<1x1x384xf32, #tpu.memory_space<hbm>> -> memref<384xf32, #tpu.memory_space<hbm>>
      %dma_start3A_123 = arith.constant 0 : i32
      %dma_start3A_124 = tpu.memref_slice %arg6[%squeeze3A_113, %dma_start3A_123] : memref<128x384xf32, #tpu.memory_space<vmem>> -> memref<1x384xf32, #tpu.memory_space<vmem>>
      %dma_start3A_125 = tpu.memref_squeeze %dma_start3A_124 : memref<1x384xf32, #tpu.memory_space<vmem>> -> memref<384xf32, #tpu.memory_space<vmem>>
      tpu.enqueue_dma source(%dma_start3A_125 : memref<384xf32, #tpu.memory_space<vmem>>) target(%dma_start3A_122 : memref<384xf32, #tpu.memory_space<hbm>>) target_semaphore(%arg9 : memref<!tpu.dma_semaphore, #tpu.memory_space<semaphore_mem>>)
      %slice3A_126 = vector.extract_strided_slice %get3A_71 {offsets = [4], sizes = [1], strides = [1]} : vector<16xi32> to vector<1xi32>
      %squeeze3A_127 = vector.extract %slice3A_126[0] : i32 from vector<1xi32>
      %add3A_128 = arith.constant 4 : i32
      %add3A_129 = arith.addi %mul3A_68, %add3A_128 : i32
      %dma_start3A_130 = arith.constant 0 : i32
      %dma_start3A_131 = tpu.memref_slice %arg6[%squeeze3A_127, %dma_start3A_130] : memref<128x384xf32, #tpu.memory_space<vmem>> -> memref<1x384xf32, #tpu.memory_space<vmem>>
      %dma_start3A_132 = tpu.memref_squeeze %dma_start3A_131 : memref<1x384xf32, #tpu.memory_space<vmem>> -> memref<384xf32, #tpu.memory_space<vmem>>
      %dma_start3A_133 = tpu.memref_slice %arg4[%add3A_52, %add3A_129, %add3A_3] : memref<32x128x18432xf32, #tpu.memory_space<hbm>> -> memref<1x1x384xf32, #tpu.memory_space<hbm>>
      %dma_start3A_134 = tpu.memref_squeeze %dma_start3A_133 : memref<1x1x384xf32, #tpu.memory_space<hbm>> -> memref<384xf32, #tpu.memory_space<hbm>>
      %dma_start3A_135 = tpu.memref_slice %arg4[%add3A_52, %add3A_129, %add3A_3] : memref<32x128x18432xf32, #tpu.memory_space<hbm>> -> memref<1x1x384xf32, #tpu.memory_space<hbm>>
      %dma_start3A_136 = tpu.memref_squeeze %dma_start3A_135 : memref<1x1x384xf32, #tpu.memory_space<hbm>> -> memref<384xf32, #tpu.memory_space<hbm>>
      %dma_start3A_137 = arith.constant 0 : i32
      %dma_start3A_138 = tpu.memref_slice %arg6[%squeeze3A_127, %dma_start3A_137] : memref<128x384xf32, #tpu.memory_space<vmem>> -> memref<1x384xf32, #tpu.memory_space<vmem>>
      %dma_start3A_139 = tpu.memref_squeeze %dma_start3A_138 : memref<1x384xf32, #tpu.memory_space<vmem>> -> memref<384xf32, #tpu.memory_space<vmem>>
      tpu.enqueue_dma source(%dma_start3A_139 : memref<384xf32, #tpu.memory_space<vmem>>) target(%dma_start3A_136 : memref<384xf32, #tpu.memory_space<hbm>>) target_semaphore(%arg9 : memref<!tpu.dma_semaphore, #tpu.memory_space<semaphore_mem>>)
      %slice3A_140 = vector.extract_strided_slice %get3A_71 {offsets = [5], sizes = [1], strides = [1]} : vector<16xi32> to vector<1xi32>
      %squeeze3A_141 = vector.extract %slice3A_140[0] : i32 from vector<1xi32>
      %add3A_142 = arith.constant 5 : i32
      %add3A_143 = arith.addi %mul3A_68, %add3A_142 : i32
      %dma_start3A_144 = arith.constant 0 : i32
      %dma_start3A_145 = tpu.memref_slice %arg6[%squeeze3A_141, %dma_start3A_144] : memref<128x384xf32, #tpu.memory_space<vmem>> -> memref<1x384xf32, #tpu.memory_space<vmem>>
      %dma_start3A_146 = tpu.memref_squeeze %dma_start3A_145 : memref<1x384xf32, #tpu.memory_space<vmem>> -> memref<384xf32, #tpu.memory_space<vmem>>
      %dma_start3A_147 = tpu.memref_slice %arg4[%add3A_52, %add3A_143, %add3A_3] : memref<32x128x18432xf32, #tpu.memory_space<hbm>> -> memref<1x1x384xf32, #tpu.memory_space<hbm>>
      %dma_start3A_148 = tpu.memref_squeeze %dma_start3A_147 : memref<1x1x384xf32, #tpu.memory_space<hbm>> -> memref<384xf32, #tpu.memory_space<hbm>>
      %dma_start3A_149 = tpu.memref_slice %arg4[%add3A_52, %add3A_143, %add3A_3] : memref<32x128x18432xf32, #tpu.memory_space<hbm>> -> memref<1x1x384xf32, #tpu.memory_space<hbm>>
      %dma_start3A_150 = tpu.memref_squeeze %dma_start3A_149 : memref<1x1x384xf32, #tpu.memory_space<hbm>> -> memref<384xf32, #tpu.memory_space<hbm>>
      %dma_start3A_151 = arith.constant 0 : i32
      %dma_start3A_152 = tpu.memref_slice %arg6[%squeeze3A_141, %dma_start3A_151] : memref<128x384xf32, #tpu.memory_space<vmem>> -> memref<1x384xf32, #tpu.memory_space<vmem>>
      %dma_start3A_153 = tpu.memref_squeeze %dma_start3A_152 : memref<1x384xf32, #tpu.memory_space<vmem>> -> memref<384xf32, #tpu.memory_space<vmem>>
      tpu.enqueue_dma source(%dma_start3A_153 : memref<384xf32, #tpu.memory_space<vmem>>) target(%dma_start3A_150 : memref<384xf32, #tpu.memory_space<hbm>>) target_semaphore(%arg9 : memref<!tpu.dma_semaphore, #tpu.memory_space<semaphore_mem>>)
      %slice3A_154 = vector.extract_strided_slice %get3A_71 {offsets = [6], sizes = [1], strides = [1]} : vector<16xi32> to vector<1xi32>
      %squeeze3A_155 = vector.extract %slice3A_154[0] : i32 from vector<1xi32>
      %add3A_156 = arith.constant 6 : i32
      %add3A_157 = arith.addi %mul3A_68, %add3A_156 : i32
      %dma_start3A_158 = arith.constant 0 : i32
      %dma_start3A_159 = tpu.memref_slice %arg6[%squeeze3A_155, %dma_start3A_158] : memref<128x384xf32, #tpu.memory_space<vmem>> -> memref<1x384xf32, #tpu.memory_space<vmem>>
      %dma_start3A_160 = tpu.memref_squeeze %dma_start3A_159 : memref<1x384xf32, #tpu.memory_space<vmem>> -> memref<384xf32, #tpu.memory_space<vmem>>
      %dma_start3A_161 = tpu.memref_slice %arg4[%add3A_52, %add3A_157, %add3A_3] : memref<32x128x18432xf32, #tpu.memory_space<hbm>> -> memref<1x1x384xf32, #tpu.memory_space<hbm>>
      %dma_start3A_162 = tpu.memref_squeeze %dma_start3A_161 : memref<1x1x384xf32, #tpu.memory_space<hbm>> -> memref<384xf32, #tpu.memory_space<hbm>>
      %dma_start3A_163 = tpu.memref_slice %arg4[%add3A_52, %add3A_157, %add3A_3] : memref<32x128x18432xf32, #tpu.memory_space<hbm>> -> memref<1x1x384xf32, #tpu.memory_space<hbm>>
      %dma_start3A_164 = tpu.memref_squeeze %dma_start3A_163 : memref<1x1x384xf32, #tpu.memory_space<hbm>> -> memref<384xf32, #tpu.memory_space<hbm>>
      %dma_start3A_165 = arith.constant 0 : i32
      %dma_start3A_166 = tpu.memref_slice %arg6[%squeeze3A_155, %dma_start3A_165] : memref<128x384xf32, #tpu.memory_space<vmem>> -> memref<1x384xf32, #tpu.memory_space<vmem>>
      %dma_start3A_167 = tpu.memref_squeeze %dma_start3A_166 : memref<1x384xf32, #tpu.memory_space<vmem>> -> memref<384xf32, #tpu.memory_space<vmem>>
      tpu.enqueue_dma source(%dma_start3A_167 : memref<384xf32, #tpu.memory_space<vmem>>) target(%dma_start3A_164 : memref<384xf32, #tpu.memory_space<hbm>>) target_semaphore(%arg9 : memref<!tpu.dma_semaphore, #tpu.memory_space<semaphore_mem>>)
      %slice3A_168 = vector.extract_strided_slice %get3A_71 {offsets = [7], sizes = [1], strides = [1]} : vector<16xi32> to vector<1xi32>
      %squeeze3A_169 = vector.extract %slice3A_168[0] : i32 from vector<1xi32>
      %add3A_170 = arith.constant 7 : i32
      %add3A_171 = arith.addi %mul3A_68, %add3A_170 : i32
      %dma_start3A_172 = arith.constant 0 : i32
      %dma_start3A_173 = tpu.memref_slice %arg6[%squeeze3A_169, %dma_start3A_172] : memref<128x384xf32, #tpu.memory_space<vmem>> -> memref<1x384xf32, #tpu.memory_space<vmem>>
      %dma_start3A_174 = tpu.memref_squeeze %dma_start3A_173 : memref<1x384xf32, #tpu.memory_space<vmem>> -> memref<384xf32, #tpu.memory_space<vmem>>
      %dma_start3A_175 = tpu.memref_slice %arg4[%add3A_52, %add3A_171, %add3A_3] : memref<32x128x18432xf32, #tpu.memory_space<hbm>> -> memref<1x1x384xf32, #tpu.memory_space<hbm>>
      %dma_start3A_176 = tpu.memref_squeeze %dma_start3A_175 : memref<1x1x384xf32, #tpu.memory_space<hbm>> -> memref<384xf32, #tpu.memory_space<hbm>>
      %dma_start3A_177 = tpu.memref_slice %arg4[%add3A_52, %add3A_171, %add3A_3] : memref<32x128x18432xf32, #tpu.memory_space<hbm>> -> memref<1x1x384xf32, #tpu.memory_space<hbm>>
      %dma_start3A_178 = tpu.memref_squeeze %dma_start3A_177 : memref<1x1x384xf32, #tpu.memory_space<hbm>> -> memref<384xf32, #tpu.memory_space<hbm>>
      %dma_start3A_179 = arith.constant 0 : i32
      %dma_start3A_180 = tpu.memref_slice %arg6[%squeeze3A_169, %dma_start3A_179] : memref<128x384xf32, #tpu.memory_space<vmem>> -> memref<1x384xf32, #tpu.memory_space<vmem>>
      %dma_start3A_181 = tpu.memref_squeeze %dma_start3A_180 : memref<1x384xf32, #tpu.memory_space<vmem>> -> memref<384xf32, #tpu.memory_space<vmem>>
      tpu.enqueue_dma source(%dma_start3A_181 : memref<384xf32, #tpu.memory_space<vmem>>) target(%dma_start3A_178 : memref<384xf32, #tpu.memory_space<hbm>>) target_semaphore(%arg9 : memref<!tpu.dma_semaphore, #tpu.memory_space<semaphore_mem>>)
      %slice3A_182 = vector.extract_strided_slice %get3A_71 {offsets = [8], sizes = [1], strides = [1]} : vector<16xi32> to vector<1xi32>
      %squeeze3A_183 = vector.extract %slice3A_182[0] : i32 from vector<1xi32>
      %add3A_184 = arith.constant 8 : i32
      %add3A_185 = arith.addi %mul3A_68, %add3A_184 : i32
      %dma_start3A_186 = arith.constant 0 : i32
      %dma_start3A_187 = tpu.memref_slice %arg6[%squeeze3A_183, %dma_start3A_186] : memref<128x384xf32, #tpu.memory_space<vmem>> -> memref<1x384xf32, #tpu.memory_space<vmem>>
      %dma_start3A_188 = tpu.memref_squeeze %dma_start3A_187 : memref<1x384xf32, #tpu.memory_space<vmem>> -> memref<384xf32, #tpu.memory_space<vmem>>
      %dma_start3A_189 = tpu.memref_slice %arg4[%add3A_52, %add3A_185, %add3A_3] : memref<32x128x18432xf32, #tpu.memory_space<hbm>> -> memref<1x1x384xf32, #tpu.memory_space<hbm>>
      %dma_start3A_190 = tpu.memref_squeeze %dma_start3A_189 : memref<1x1x384xf32, #tpu.memory_space<hbm>> -> memref<384xf32, #tpu.memory_space<hbm>>
      %dma_start3A_191 = tpu.memref_slice %arg4[%add3A_52, %add3A_185, %add3A_3] : memref<32x128x18432xf32, #tpu.memory_space<hbm>> -> memref<1x1x384xf32, #tpu.memory_space<hbm>>
      %dma_start3A_192 = tpu.memref_squeeze %dma_start3A_191 : memref<1x1x384xf32, #tpu.memory_space<hbm>> -> memref<384xf32, #tpu.memory_space<hbm>>
      %dma_start3A_193 = arith.constant 0 : i32
      %dma_start3A_194 = tpu.memref_slice %arg6[%squeeze3A_183, %dma_start3A_193] : memref<128x384xf32, #tpu.memory_space<vmem>> -> memref<1x384xf32, #tpu.memory_space<vmem>>
      %dma_start3A_195 = tpu.memref_squeeze %dma_start3A_194 : memref<1x384xf32, #tpu.memory_space<vmem>> -> memref<384xf32, #tpu.memory_space<vmem>>
      tpu.enqueue_dma source(%dma_start3A_195 : memref<384xf32, #tpu.memory_space<vmem>>) target(%dma_start3A_192 : memref<384xf32, #tpu.memory_space<hbm>>) target_semaphore(%arg9 : memref<!tpu.dma_semaphore, #tpu.memory_space<semaphore_mem>>)
      %slice3A_196 = vector.extract_strided_slice %get3A_71 {offsets = [9], sizes = [1], strides = [1]} : vector<16xi32> to vector<1xi32>
      %squeeze3A_197 = vector.extract %slice3A_196[0] : i32 from vector<1xi32>
      %add3A_198 = arith.constant 9 : i32
      %add3A_199 = arith.addi %mul3A_68, %add3A_198 : i32
      %dma_start3A_200 = arith.constant 0 : i32
      %dma_start3A_201 = tpu.memref_slice %arg6[%squeeze3A_197, %dma_start3A_200] : memref<128x384xf32, #tpu.memory_space<vmem>> -> memref<1x384xf32, #tpu.memory_space<vmem>>
      %dma_start3A_202 = tpu.memref_squeeze %dma_start3A_201 : memref<1x384xf32, #tpu.memory_space<vmem>> -> memref<384xf32, #tpu.memory_space<vmem>>
      %dma_start3A_203 = tpu.memref_slice %arg4[%add3A_52, %add3A_199, %add3A_3] : memref<32x128x18432xf32, #tpu.memory_space<hbm>> -> memref<1x1x384xf32, #tpu.memory_space<hbm>>
      %dma_start3A_204 = tpu.memref_squeeze %dma_start3A_203 : memref<1x1x384xf32, #tpu.memory_space<hbm>> -> memref<384xf32, #tpu.memory_space<hbm>>
      %dma_start3A_205 = tpu.memref_slice %arg4[%add3A_52, %add3A_199, %add3A_3] : memref<32x128x18432xf32, #tpu.memory_space<hbm>> -> memref<1x1x384xf32, #tpu.memory_space<hbm>>
      %dma_start3A_206 = tpu.memref_squeeze %dma_start3A_205 : memref<1x1x384xf32, #tpu.memory_space<hbm>> -> memref<384xf32, #tpu.memory_space<hbm>>
      %dma_start3A_207 = arith.constant 0 : i32
      %dma_start3A_208 = tpu.memref_slice %arg6[%squeeze3A_197, %dma_start3A_207] : memref<128x384xf32, #tpu.memory_space<vmem>> -> memref<1x384xf32, #tpu.memory_space<vmem>>
      %dma_start3A_209 = tpu.memref_squeeze %dma_start3A_208 : memref<1x384xf32, #tpu.memory_space<vmem>> -> memref<384xf32, #tpu.memory_space<vmem>>
      tpu.enqueue_dma source(%dma_start3A_209 : memref<384xf32, #tpu.memory_space<vmem>>) target(%dma_start3A_206 : memref<384xf32, #tpu.memory_space<hbm>>) target_semaphore(%arg9 : memref<!tpu.dma_semaphore, #tpu.memory_space<semaphore_mem>>)
      %slice3A_210 = vector.extract_strided_slice %get3A_71 {offsets = [10], sizes = [1], strides = [1]} : vector<16xi32> to vector<1xi32>
      %squeeze3A_211 = vector.extract %slice3A_210[0] : i32 from vector<1xi32>
      %add3A_212 = arith.constant 10 : i32
      %add3A_213 = arith.addi %mul3A_68, %add3A_212 : i32
      %dma_start3A_214 = arith.constant 0 : i32
      %dma_start3A_215 = tpu.memref_slice %arg6[%squeeze3A_211, %dma_start3A_214] : memref<128x384xf32, #tpu.memory_space<vmem>> -> memref<1x384xf32, #tpu.memory_space<vmem>>
      %dma_start3A_216 = tpu.memref_squeeze %dma_start3A_215 : memref<1x384xf32, #tpu.memory_space<vmem>> -> memref<384xf32, #tpu.memory_space<vmem>>
      %dma_start3A_217 = tpu.memref_slice %arg4[%add3A_52, %add3A_213, %add3A_3] : memref<32x128x18432xf32, #tpu.memory_space<hbm>> -> memref<1x1x384xf32, #tpu.memory_space<hbm>>
      %dma_start3A_218 = tpu.memref_squeeze %dma_start3A_217 : memref<1x1x384xf32, #tpu.memory_space<hbm>> -> memref<384xf32, #tpu.memory_space<hbm>>
      %dma_start3A_219 = tpu.memref_slice %arg4[%add3A_52, %add3A_213, %add3A_3] : memref<32x128x18432xf32, #tpu.memory_space<hbm>> -> memref<1x1x384xf32, #tpu.memory_space<hbm>>
      %dma_start3A_220 = tpu.memref_squeeze %dma_start3A_219 : memref<1x1x384xf32, #tpu.memory_space<hbm>> -> memref<384xf32, #tpu.memory_space<hbm>>
      %dma_start3A_221 = arith.constant 0 : i32
      %dma_start3A_222 = tpu.memref_slice %arg6[%squeeze3A_211, %dma_start3A_221] : memref<128x384xf32, #tpu.memory_space<vmem>> -> memref<1x384xf32, #tpu.memory_space<vmem>>
      %dma_start3A_223 = tpu.memref_squeeze %dma_start3A_222 : memref<1x384xf32, #tpu.memory_space<vmem>> -> memref<384xf32, #tpu.memory_space<vmem>>
      tpu.enqueue_dma source(%dma_start3A_223 : memref<384xf32, #tpu.memory_space<vmem>>) target(%dma_start3A_220 : memref<384xf32, #tpu.memory_space<hbm>>) target_semaphore(%arg9 : memref<!tpu.dma_semaphore, #tpu.memory_space<semaphore_mem>>)
      %slice3A_224 = vector.extract_strided_slice %get3A_71 {offsets = [11], sizes = [1], strides = [1]} : vector<16xi32> to vector<1xi32>
      %squeeze3A_225 = vector.extract %slice3A_224[0] : i32 from vector<1xi32>
      %add3A_226 = arith.constant 11 : i32
      %add3A_227 = arith.addi %mul3A_68, %add3A_226 : i32
      %dma_start3A_228 = arith.constant 0 : i32
      %dma_start3A_229 = tpu.memref_slice %arg6[%squeeze3A_225, %dma_start3A_228] : memref<128x384xf32, #tpu.memory_space<vmem>> -> memref<1x384xf32, #tpu.memory_space<vmem>>
      %dma_start3A_230 = tpu.memref_squeeze %dma_start3A_229 : memref<1x384xf32, #tpu.memory_space<vmem>> -> memref<384xf32, #tpu.memory_space<vmem>>
      %dma_start3A_231 = tpu.memref_slice %arg4[%add3A_52, %add3A_227, %add3A_3] : memref<32x128x18432xf32, #tpu.memory_space<hbm>> -> memref<1x1x384xf32, #tpu.memory_space<hbm>>
      %dma_start3A_232 = tpu.memref_squeeze %dma_start3A_231 : memref<1x1x384xf32, #tpu.memory_space<hbm>> -> memref<384xf32, #tpu.memory_space<hbm>>
      %dma_start3A_233 = tpu.memref_slice %arg4[%add3A_52, %add3A_227, %add3A_3] : memref<32x128x18432xf32, #tpu.memory_space<hbm>> -> memref<1x1x384xf32, #tpu.memory_space<hbm>>
      %dma_start3A_234 = tpu.memref_squeeze %dma_start3A_233 : memref<1x1x384xf32, #tpu.memory_space<hbm>> -> memref<384xf32, #tpu.memory_space<hbm>>
      %dma_start3A_235 = arith.constant 0 : i32
      %dma_start3A_236 = tpu.memref_slice %arg6[%squeeze3A_225, %dma_start3A_235] : memref<128x384xf32, #tpu.memory_space<vmem>> -> memref<1x384xf32, #tpu.memory_space<vmem>>
      %dma_start3A_237 = tpu.memref_squeeze %dma_start3A_236 : memref<1x384xf32, #tpu.memory_space<vmem>> -> memref<384xf32, #tpu.memory_space<vmem>>
      tpu.enqueue_dma source(%dma_start3A_237 : memref<384xf32, #tpu.memory_space<vmem>>) target(%dma_start3A_234 : memref<384xf32, #tpu.memory_space<hbm>>) target_semaphore(%arg9 : memref<!tpu.dma_semaphore, #tpu.memory_space<semaphore_mem>>)
      %slice3A_238 = vector.extract_strided_slice %get3A_71 {offsets = [12], sizes = [1], strides = [1]} : vector<16xi32> to vector<1xi32>
      %squeeze3A_239 = vector.extract %slice3A_238[0] : i32 from vector<1xi32>
      %add3A_240 = arith.constant 12 : i32
      %add3A_241 = arith.addi %mul3A_68, %add3A_240 : i32
      %dma_start3A_242 = arith.constant 0 : i32
      %dma_start3A_243 = tpu.memref_slice %arg6[%squeeze3A_239, %dma_start3A_242] : memref<128x384xf32, #tpu.memory_space<vmem>> -> memref<1x384xf32, #tpu.memory_space<vmem>>
      %dma_start3A_244 = tpu.memref_squeeze %dma_start3A_243 : memref<1x384xf32, #tpu.memory_space<vmem>> -> memref<384xf32, #tpu.memory_space<vmem>>
      %dma_start3A_245 = tpu.memref_slice %arg4[%add3A_52, %add3A_241, %add3A_3] : memref<32x128x18432xf32, #tpu.memory_space<hbm>> -> memref<1x1x384xf32, #tpu.memory_space<hbm>>
      %dma_start3A_246 = tpu.memref_squeeze %dma_start3A_245 : memref<1x1x384xf32, #tpu.memory_space<hbm>> -> memref<384xf32, #tpu.memory_space<hbm>>
      %dma_start3A_247 = tpu.memref_slice %arg4[%add3A_52, %add3A_241, %add3A_3] : memref<32x128x18432xf32, #tpu.memory_space<hbm>> -> memref<1x1x384xf32, #tpu.memory_space<hbm>>
      %dma_start3A_248 = tpu.memref_squeeze %dma_start3A_247 : memref<1x1x384xf32, #tpu.memory_space<hbm>> -> memref<384xf32, #tpu.memory_space<hbm>>
      %dma_start3A_249 = arith.constant 0 : i32
      %dma_start3A_250 = tpu.memref_slice %arg6[%squeeze3A_239, %dma_start3A_249] : memref<128x384xf32, #tpu.memory_space<vmem>> -> memref<1x384xf32, #tpu.memory_space<vmem>>
      %dma_start3A_251 = tpu.memref_squeeze %dma_start3A_250 : memref<1x384xf32, #tpu.memory_space<vmem>> -> memref<384xf32, #tpu.memory_space<vmem>>
      tpu.enqueue_dma source(%dma_start3A_251 : memref<384xf32, #tpu.memory_space<vmem>>) target(%dma_start3A_248 : memref<384xf32, #tpu.memory_space<hbm>>) target_semaphore(%arg9 : memref<!tpu.dma_semaphore, #tpu.memory_space<semaphore_mem>>)
      %slice3A_252 = vector.extract_strided_slice %get3A_71 {offsets = [13], sizes = [1], strides = [1]} : vector<16xi32> to vector<1xi32>
      %squeeze3A_253 = vector.extract %slice3A_252[0] : i32 from vector<1xi32>
      %add3A_254 = arith.constant 13 : i32
      %add3A_255 = arith.addi %mul3A_68, %add3A_254 : i32
      %dma_start3A_256 = arith.constant 0 : i32
      %dma_start3A_257 = tpu.memref_slice %arg6[%squeeze3A_253, %dma_start3A_256] : memref<128x384xf32, #tpu.memory_space<vmem>> -> memref<1x384xf32, #tpu.memory_space<vmem>>
      %dma_start3A_258 = tpu.memref_squeeze %dma_start3A_257 : memref<1x384xf32, #tpu.memory_space<vmem>> -> memref<384xf32, #tpu.memory_space<vmem>>
      %dma_start3A_259 = tpu.memref_slice %arg4[%add3A_52, %add3A_255, %add3A_3] : memref<32x128x18432xf32, #tpu.memory_space<hbm>> -> memref<1x1x384xf32, #tpu.memory_space<hbm>>
      %dma_start3A_260 = tpu.memref_squeeze %dma_start3A_259 : memref<1x1x384xf32, #tpu.memory_space<hbm>> -> memref<384xf32, #tpu.memory_space<hbm>>
      %dma_start3A_261 = tpu.memref_slice %arg4[%add3A_52, %add3A_255, %add3A_3] : memref<32x128x18432xf32, #tpu.memory_space<hbm>> -> memref<1x1x384xf32, #tpu.memory_space<hbm>>
      %dma_start3A_262 = tpu.memref_squeeze %dma_start3A_261 : memref<1x1x384xf32, #tpu.memory_space<hbm>> -> memref<384xf32, #tpu.memory_space<hbm>>
      %dma_start3A_263 = arith.constant 0 : i32
      %dma_start3A_264 = tpu.memref_slice %arg6[%squeeze3A_253, %dma_start3A_263] : memref<128x384xf32, #tpu.memory_space<vmem>> -> memref<1x384xf32, #tpu.memory_space<vmem>>
      %dma_start3A_265 = tpu.memref_squeeze %dma_start3A_264 : memref<1x384xf32, #tpu.memory_space<vmem>> -> memref<384xf32, #tpu.memory_space<vmem>>
      tpu.enqueue_dma source(%dma_start3A_265 : memref<384xf32, #tpu.memory_space<vmem>>) target(%dma_start3A_262 : memref<384xf32, #tpu.memory_space<hbm>>) target_semaphore(%arg9 : memref<!tpu.dma_semaphore, #tpu.memory_space<semaphore_mem>>)
      %slice3A_266 = vector.extract_strided_slice %get3A_71 {offsets = [14], sizes = [1], strides = [1]} : vector<16xi32> to vector<1xi32>
      %squeeze3A_267 = vector.extract %slice3A_266[0] : i32 from vector<1xi32>
      %add3A_268 = arith.constant 14 : i32
      %add3A_269 = arith.addi %mul3A_68, %add3A_268 : i32
      %dma_start3A_270 = arith.constant 0 : i32
      %dma_start3A_271 = tpu.memref_slice %arg6[%squeeze3A_267, %dma_start3A_270] : memref<128x384xf32, #tpu.memory_space<vmem>> -> memref<1x384xf32, #tpu.memory_space<vmem>>
      %dma_start3A_272 = tpu.memref_squeeze %dma_start3A_271 : memref<1x384xf32, #tpu.memory_space<vmem>> -> memref<384xf32, #tpu.memory_space<vmem>>
      %dma_start3A_273 = tpu.memref_slice %arg4[%add3A_52, %add3A_269, %add3A_3] : memref<32x128x18432xf32, #tpu.memory_space<hbm>> -> memref<1x1x384xf32, #tpu.memory_space<hbm>>
      %dma_start3A_274 = tpu.memref_squeeze %dma_start3A_273 : memref<1x1x384xf32, #tpu.memory_space<hbm>> -> memref<384xf32, #tpu.memory_space<hbm>>
      %dma_start3A_275 = tpu.memref_slice %arg4[%add3A_52, %add3A_269, %add3A_3] : memref<32x128x18432xf32, #tpu.memory_space<hbm>> -> memref<1x1x384xf32, #tpu.memory_space<hbm>>
      %dma_start3A_276 = tpu.memref_squeeze %dma_start3A_275 : memref<1x1x384xf32, #tpu.memory_space<hbm>> -> memref<384xf32, #tpu.memory_space<hbm>>
      %dma_start3A_277 = arith.constant 0 : i32
      %dma_start3A_278 = tpu.memref_slice %arg6[%squeeze3A_267, %dma_start3A_277] : memref<128x384xf32, #tpu.memory_space<vmem>> -> memref<1x384xf32, #tpu.memory_space<vmem>>
      %dma_start3A_279 = tpu.memref_squeeze %dma_start3A_278 : memref<1x384xf32, #tpu.memory_space<vmem>> -> memref<384xf32, #tpu.memory_space<vmem>>
      tpu.enqueue_dma source(%dma_start3A_279 : memref<384xf32, #tpu.memory_space<vmem>>) target(%dma_start3A_276 : memref<384xf32, #tpu.memory_space<hbm>>) target_semaphore(%arg9 : memref<!tpu.dma_semaphore, #tpu.memory_space<semaphore_mem>>)
      %slice3A_280 = vector.extract_strided_slice %get3A_71 {offsets = [15], sizes = [1], strides = [1]} : vector<16xi32> to vector<1xi32>
      %squeeze3A_281 = vector.extract %slice3A_280[0] : i32 from vector<1xi32>
      %add3A_282 = arith.constant 15 : i32
      %add3A_283 = arith.addi %mul3A_68, %add3A_282 : i32
      %dma_start3A_284 = arith.constant 0 : i32
      %dma_start3A_285 = tpu.memref_slice %arg6[%squeeze3A_281, %dma_start3A_284] : memref<128x384xf32, #tpu.memory_space<vmem>> -> memref<1x384xf32, #tpu.memory_space<vmem>>
      %dma_start3A_286 = tpu.memref_squeeze %dma_start3A_285 : memref<1x384xf32, #tpu.memory_space<vmem>> -> memref<384xf32, #tpu.memory_space<vmem>>
      %dma_start3A_287 = tpu.memref_slice %arg4[%add3A_52, %add3A_283, %add3A_3] : memref<32x128x18432xf32, #tpu.memory_space<hbm>> -> memref<1x1x384xf32, #tpu.memory_space<hbm>>
      %dma_start3A_288 = tpu.memref_squeeze %dma_start3A_287 : memref<1x1x384xf32, #tpu.memory_space<hbm>> -> memref<384xf32, #tpu.memory_space<hbm>>
      %dma_start3A_289 = tpu.memref_slice %arg4[%add3A_52, %add3A_283, %add3A_3] : memref<32x128x18432xf32, #tpu.memory_space<hbm>> -> memref<1x1x384xf32, #tpu.memory_space<hbm>>
      %dma_start3A_290 = tpu.memref_squeeze %dma_start3A_289 : memref<1x1x384xf32, #tpu.memory_space<hbm>> -> memref<384xf32, #tpu.memory_space<hbm>>
      %dma_start3A_291 = arith.constant 0 : i32
      %dma_start3A_292 = tpu.memref_slice %arg6[%squeeze3A_281, %dma_start3A_291] : memref<128x384xf32, #tpu.memory_space<vmem>> -> memref<1x384xf32, #tpu.memory_space<vmem>>
      %dma_start3A_293 = tpu.memref_squeeze %dma_start3A_292 : memref<1x384xf32, #tpu.memory_space<vmem>> -> memref<384xf32, #tpu.memory_space<vmem>>
      tpu.enqueue_dma source(%dma_start3A_293 : memref<384xf32, #tpu.memory_space<vmem>>) target(%dma_start3A_290 : memref<384xf32, #tpu.memory_space<hbm>>) target_semaphore(%arg9 : memref<!tpu.dma_semaphore, #tpu.memory_space<semaphore_mem>>)
    }
    %scan3A_14 = arith.constant 128 : i32
    %dma_wait3A = arith.constant 0 : i32
    %dma_wait3A_15 = tpu.memref_slice %arg5[%mul3A_7, %dma_wait3A] : memref<128x6144xf32, #tpu.memory_space<vmem_shared>> -> memref<8x6144xf32, #tpu.memory_space<vmem_shared>>
    %dma_wait3A_16 = tpu.memref_slice %arg3[%mul3A_7, %mul3A_0] : memref<128x18432xf32, #tpu.memory_space<hbm>> -> memref<8x6144xf32, #tpu.memory_space<hbm>>
    tpu.wait_dma2 semaphore(%arg10 : memref<!tpu.dma_semaphore, #tpu.memory_space<semaphore_mem>>) src(%dma_wait3A_16 : memref<8x6144xf32, #tpu.memory_space<hbm>>) dst(%dma_wait3A_15 : memref<8x6144xf32, #tpu.memory_space<vmem_shared>>)
    %barrier3A = arith.constant 0 : index
    tpu.barrier barrier_id(%barrier3A)
    %scan3A_17 = arith.constant 0 : i32
    %scan3A_18 = arith.constant 0 : i32
    %scan3A_19 = arith.constant 16 : i32
    %scan3A_20 = arith.addi %scan3A_18, %scan3A_19 : i32
    %scan3A_21 = arith.constant 1 : i32
    scf.for %scan3A_35 = %scan3A_18 to %scan3A_20 step %scan3A_21  : i32 {
      %mul3A_36 = arith.constant 16 : i32
      %mul3A_37 = arith.muli %scan3A_35, %mul3A_36 : i32
      %mul3A_38 = arith.constant 2 : i32
      %mul3A_39 = arith.muli %arg1, %mul3A_38 : i32
      %jit3A = arith.constant 128 : i32
      %div3A = arith.divsi %mul3A_37, %jit3A : i32
      %sign3A = arith.constant 0 : i32
      %sign3A_40 = arith.cmpi sgt, %mul3A_37, %sign3A : i32
      %sign3A_41 = arith.extui %sign3A_40 : i1 to i32
      %sign3A_42 = arith.constant 0 : i32
      %sign3A_43 = arith.cmpi slt, %mul3A_37, %sign3A_42 : i32
      %sign3A_44 = arith.extui %sign3A_43 : i1 to i32
      %sign3A_45 = arith.subi %sign3A_41, %sign3A_44 : i32
      %sign3A_46 = arith.constant 0 : i32
      %sign3A_47 = arith.cmpi sgt, %jit3A, %sign3A_46 : i32
      %sign3A_48 = arith.extui %sign3A_47 : i1 to i32
      %sign3A_49 = arith.constant 0 : i32
      %sign3A_50 = arith.cmpi slt, %jit3A, %sign3A_49 : i32
      %sign3A_51 = arith.extui %sign3A_50 : i1 to i32
      %sign3A_52 = arith.subi %sign3A_48, %sign3A_51 : i32
      %ne3A = arith.cmpi ne, %sign3A_45, %sign3A_52 : i32
      %rem3A = arith.remsi %mul3A_37, %jit3A : i32
      %ne3A_53 = arith.constant 0 : i32
      %ne3A_54 = arith.cmpi ne, %rem3A, %ne3A_53 : i32
      %and3A = arith.andi %ne3A, %ne3A_54 : i1
      %sub3A = arith.constant 1 : i32
      %sub3A_55 = arith.subi %div3A, %sub3A : i32
      %select_n3A = arith.select %and3A, %sub3A_55, %div3A : i32
      %add3A_56 = arith.addi %mul3A_39, %select_n3A : i32
      %jit3A_57 = arith.constant 128 : i32
      %eq3A = arith.constant 0 : i32
      %eq3A_58 = arith.cmpi eq, %jit3A_57, %eq3A : i32
      %jit3A_59 = arith.constant 1 : i32
      %select_n3A_60 = arith.select %eq3A_58, %jit3A_59, %jit3A_57 : i32
      %rem3A_61 = arith.remsi %mul3A_37, %select_n3A_60 : i32
      %ne3A_62 = arith.constant 0 : i32
      %ne3A_63 = arith.cmpi ne, %rem3A_61, %ne3A_62 : i32
      %lt3A = arith.constant 0 : i32
      %lt3A_64 = arith.cmpi slt, %rem3A_61, %lt3A : i32
      %lt3A_65 = arith.constant 0 : i32
      %lt3A_66 = arith.cmpi slt, %select_n3A_60, %lt3A_65 : i32
      %ne3A_67 = arith.xori %lt3A_64, %lt3A_66 : i1
      %and3A_68 = arith.andi %ne3A_67, %ne3A_63 : i1
      %add3A_69 = arith.addi %rem3A_61, %select_n3A_60 : i32
      %select_n3A_70 = arith.select %and3A_68, %add3A_69, %rem3A_61 : i32
      %get3A = arith.index_cast %add3A_56 : i32 to index
      %get3A_71 = arith.index_cast %select_n3A_70 : i32 to index
      %get3A_72 = tpu.vector_load %arg7[%get3A, %get3A_71] {strides = array<i32>} : memref<32x128xi32, #tpu.memory_space<vmem>>, vector<1x16xi32>,
      %get3A_73 = vector.shape_cast %get3A_72 : vector<1x16xi32> to vector<16xi32>
      %slice3A = vector.extract_strided_slice %get3A_73 {offsets = [0], sizes = [1], strides = [1]} : vector<16xi32> to vector<1xi32>
      %squeeze3A = vector.extract %slice3A[0] : i32 from vector<1xi32>
      %add3A_74 = arith.constant 0 : i32
      %add3A_75 = arith.addi %select_n3A_70, %add3A_74 : i32
      %dma_start3A_76 = tpu.memref_slice %arg4[%add3A_56, %add3A_75, %mul3A_0] : memref<32x128x18432xf32, #tpu.memory_space<hbm>> -> memref<1x1x6144xf32, #tpu.memory_space<hbm>>
      %dma_start3A_77 = tpu.memref_squeeze %dma_start3A_76 : memref<1x1x6144xf32, #tpu.memory_space<hbm>> -> memref<6144xf32, #tpu.memory_space<hbm>>
      %dma_start3A_78 = arith.constant 0 : i32
      %dma_start3A_79 = tpu.memref_slice %arg5[%squeeze3A, %dma_start3A_78] : memref<128x6144xf32, #tpu.memory_space<vmem_shared>> -> memref<1x6144xf32, #tpu.memory_space<vmem_shared>>
      %dma_start3A_80 = tpu.memref_squeeze %dma_start3A_79 : memref<1x6144xf32, #tpu.memory_space<vmem_shared>> -> memref<6144xf32, #tpu.memory_space<vmem_shared>>
      tpu.enqueue_dma source(%dma_start3A_80 : memref<6144xf32, #tpu.memory_space<vmem_shared>>) target(%dma_start3A_77 : memref<6144xf32, #tpu.memory_space<hbm>>) target_semaphore(%arg8 : memref<!tpu.dma_semaphore, #tpu.memory_space<semaphore_mem>>)
      %slice3A_81 = vector.extract_strided_slice %get3A_73 {offsets = [1], sizes = [1], strides = [1]} : vector<16xi32> to vector<1xi32>
      %squeeze3A_82 = vector.extract %slice3A_81[0] : i32 from vector<1xi32>
      %add3A_83 = arith.constant 1 : i32
      %add3A_84 = arith.addi %select_n3A_70, %add3A_83 : i32
      %dma_start3A_85 = tpu.memref_slice %arg4[%add3A_56, %add3A_84, %mul3A_0] : memref<32x128x18432xf32, #tpu.memory_space<hbm>> -> memref<1x1x6144xf32, #tpu.memory_space<hbm>>
      %dma_start3A_86 = tpu.memref_squeeze %dma_start3A_85 : memref<1x1x6144xf32, #tpu.memory_space<hbm>> -> memref<6144xf32, #tpu.memory_space<hbm>>
      %dma_start3A_87 = arith.constant 0 : i32
      %dma_start3A_88 = tpu.memref_slice %arg5[%squeeze3A_82, %dma_start3A_87] : memref<128x6144xf32, #tpu.memory_space<vmem_shared>> -> memref<1x6144xf32, #tpu.memory_space<vmem_shared>>
      %dma_start3A_89 = tpu.memref_squeeze %dma_start3A_88 : memref<1x6144xf32, #tpu.memory_space<vmem_shared>> -> memref<6144xf32, #tpu.memory_space<vmem_shared>>
      tpu.enqueue_dma source(%dma_start3A_89 : memref<6144xf32, #tpu.memory_space<vmem_shared>>) target(%dma_start3A_86 : memref<6144xf32, #tpu.memory_space<hbm>>) target_semaphore(%arg8 : memref<!tpu.dma_semaphore, #tpu.memory_space<semaphore_mem>>)
      %slice3A_90 = vector.extract_strided_slice %get3A_73 {offsets = [2], sizes = [1], strides = [1]} : vector<16xi32> to vector<1xi32>
      %squeeze3A_91 = vector.extract %slice3A_90[0] : i32 from vector<1xi32>
      %add3A_92 = arith.constant 2 : i32
      %add3A_93 = arith.addi %select_n3A_70, %add3A_92 : i32
      %dma_start3A_94 = tpu.memref_slice %arg4[%add3A_56, %add3A_93, %mul3A_0] : memref<32x128x18432xf32, #tpu.memory_space<hbm>> -> memref<1x1x6144xf32, #tpu.memory_space<hbm>>
      %dma_start3A_95 = tpu.memref_squeeze %dma_start3A_94 : memref<1x1x6144xf32, #tpu.memory_space<hbm>> -> memref<6144xf32, #tpu.memory_space<hbm>>
      %dma_start3A_96 = arith.constant 0 : i32
      %dma_start3A_97 = tpu.memref_slice %arg5[%squeeze3A_91, %dma_start3A_96] : memref<128x6144xf32, #tpu.memory_space<vmem_shared>> -> memref<1x6144xf32, #tpu.memory_space<vmem_shared>>
      %dma_start3A_98 = tpu.memref_squeeze %dma_start3A_97 : memref<1x6144xf32, #tpu.memory_space<vmem_shared>> -> memref<6144xf32, #tpu.memory_space<vmem_shared>>
      tpu.enqueue_dma source(%dma_start3A_98 : memref<6144xf32, #tpu.memory_space<vmem_shared>>) target(%dma_start3A_95 : memref<6144xf32, #tpu.memory_space<hbm>>) target_semaphore(%arg8 : memref<!tpu.dma_semaphore, #tpu.memory_space<semaphore_mem>>)
      %slice3A_99 = vector.extract_strided_slice %get3A_73 {offsets = [3], sizes = [1], strides = [1]} : vector<16xi32> to vector<1xi32>
      %squeeze3A_100 = vector.extract %slice3A_99[0] : i32 from vector<1xi32>
      %add3A_101 = arith.constant 3 : i32
      %add3A_102 = arith.addi %select_n3A_70, %add3A_101 : i32
      %dma_start3A_103 = tpu.memref_slice %arg4[%add3A_56, %add3A_102, %mul3A_0] : memref<32x128x18432xf32, #tpu.memory_space<hbm>> -> memref<1x1x6144xf32, #tpu.memory_space<hbm>>
      %dma_start3A_104 = tpu.memref_squeeze %dma_start3A_103 : memref<1x1x6144xf32, #tpu.memory_space<hbm>> -> memref<6144xf32, #tpu.memory_space<hbm>>
      %dma_start3A_105 = arith.constant 0 : i32
      %dma_start3A_106 = tpu.memref_slice %arg5[%squeeze3A_100, %dma_start3A_105] : memref<128x6144xf32, #tpu.memory_space<vmem_shared>> -> memref<1x6144xf32, #tpu.memory_space<vmem_shared>>
      %dma_start3A_107 = tpu.memref_squeeze %dma_start3A_106 : memref<1x6144xf32, #tpu.memory_space<vmem_shared>> -> memref<6144xf32, #tpu.memory_space<vmem_shared>>
      tpu.enqueue_dma source(%dma_start3A_107 : memref<6144xf32, #tpu.memory_space<vmem_shared>>) target(%dma_start3A_104 : memref<6144xf32, #tpu.memory_space<hbm>>) target_semaphore(%arg8 : memref<!tpu.dma_semaphore, #tpu.memory_space<semaphore_mem>>)
      %slice3A_108 = vector.extract_strided_slice %get3A_73 {offsets = [4], sizes = [1], strides = [1]} : vector<16xi32> to vector<1xi32>
      %squeeze3A_109 = vector.extract %slice3A_108[0] : i32 from vector<1xi32>
      %add3A_110 = arith.constant 4 : i32
      %add3A_111 = arith.addi %select_n3A_70, %add3A_110 : i32
      %dma_start3A_112 = tpu.memref_slice %arg4[%add3A_56, %add3A_111, %mul3A_0] : memref<32x128x18432xf32, #tpu.memory_space<hbm>> -> memref<1x1x6144xf32, #tpu.memory_space<hbm>>
      %dma_start3A_113 = tpu.memref_squeeze %dma_start3A_112 : memref<1x1x6144xf32, #tpu.memory_space<hbm>> -> memref<6144xf32, #tpu.memory_space<hbm>>
      %dma_start3A_114 = arith.constant 0 : i32
      %dma_start3A_115 = tpu.memref_slice %arg5[%squeeze3A_109, %dma_start3A_114] : memref<128x6144xf32, #tpu.memory_space<vmem_shared>> -> memref<1x6144xf32, #tpu.memory_space<vmem_shared>>
      %dma_start3A_116 = tpu.memref_squeeze %dma_start3A_115 : memref<1x6144xf32, #tpu.memory_space<vmem_shared>> -> memref<6144xf32, #tpu.memory_space<vmem_shared>>
      tpu.enqueue_dma source(%dma_start3A_116 : memref<6144xf32, #tpu.memory_space<vmem_shared>>) target(%dma_start3A_113 : memref<6144xf32, #tpu.memory_space<hbm>>) target_semaphore(%arg8 : memref<!tpu.dma_semaphore, #tpu.memory_space<semaphore_mem>>)
      %slice3A_117 = vector.extract_strided_slice %get3A_73 {offsets = [5], sizes = [1], strides = [1]} : vector<16xi32> to vector<1xi32>
      %squeeze3A_118 = vector.extract %slice3A_117[0] : i32 from vector<1xi32>
      %add3A_119 = arith.constant 5 : i32
      %add3A_120 = arith.addi %select_n3A_70, %add3A_119 : i32
      %dma_start3A_121 = tpu.memref_slice %arg4[%add3A_56, %add3A_120, %mul3A_0] : memref<32x128x18432xf32, #tpu.memory_space<hbm>> -> memref<1x1x6144xf32, #tpu.memory_space<hbm>>
      %dma_start3A_122 = tpu.memref_squeeze %dma_start3A_121 : memref<1x1x6144xf32, #tpu.memory_space<hbm>> -> memref<6144xf32, #tpu.memory_space<hbm>>
      %dma_start3A_123 = arith.constant 0 : i32
      %dma_start3A_124 = tpu.memref_slice %arg5[%squeeze3A_118, %dma_start3A_123] : memref<128x6144xf32, #tpu.memory_space<vmem_shared>> -> memref<1x6144xf32, #tpu.memory_space<vmem_shared>>
      %dma_start3A_125 = tpu.memref_squeeze %dma_start3A_124 : memref<1x6144xf32, #tpu.memory_space<vmem_shared>> -> memref<6144xf32, #tpu.memory_space<vmem_shared>>
      tpu.enqueue_dma source(%dma_start3A_125 : memref<6144xf32, #tpu.memory_space<vmem_shared>>) target(%dma_start3A_122 : memref<6144xf32, #tpu.memory_space<hbm>>) target_semaphore(%arg8 : memref<!tpu.dma_semaphore, #tpu.memory_space<semaphore_mem>>)
      %slice3A_126 = vector.extract_strided_slice %get3A_73 {offsets = [6], sizes = [1], strides = [1]} : vector<16xi32> to vector<1xi32>
      %squeeze3A_127 = vector.extract %slice3A_126[0] : i32 from vector<1xi32>
      %add3A_128 = arith.constant 6 : i32
      %add3A_129 = arith.addi %select_n3A_70, %add3A_128 : i32
      %dma_start3A_130 = tpu.memref_slice %arg4[%add3A_56, %add3A_129, %mul3A_0] : memref<32x128x18432xf32, #tpu.memory_space<hbm>> -> memref<1x1x6144xf32, #tpu.memory_space<hbm>>
      %dma_start3A_131 = tpu.memref_squeeze %dma_start3A_130 : memref<1x1x6144xf32, #tpu.memory_space<hbm>> -> memref<6144xf32, #tpu.memory_space<hbm>>
      %dma_start3A_132 = arith.constant 0 : i32
      %dma_start3A_133 = tpu.memref_slice %arg5[%squeeze3A_127, %dma_start3A_132] : memref<128x6144xf32, #tpu.memory_space<vmem_shared>> -> memref<1x6144xf32, #tpu.memory_space<vmem_shared>>
      %dma_start3A_134 = tpu.memref_squeeze %dma_start3A_133 : memref<1x6144xf32, #tpu.memory_space<vmem_shared>> -> memref<6144xf32, #tpu.memory_space<vmem_shared>>
      tpu.enqueue_dma source(%dma_start3A_134 : memref<6144xf32, #tpu.memory_space<vmem_shared>>) target(%dma_start3A_131 : memref<6144xf32, #tpu.memory_space<hbm>>) target_semaphore(%arg8 : memref<!tpu.dma_semaphore, #tpu.memory_space<semaphore_mem>>)
      %slice3A_135 = vector.extract_strided_slice %get3A_73 {offsets = [7], sizes = [1], strides = [1]} : vector<16xi32> to vector<1xi32>
      %squeeze3A_136 = vector.extract %slice3A_135[0] : i32 from vector<1xi32>
      %add3A_137 = arith.constant 7 : i32
      %add3A_138 = arith.addi %select_n3A_70, %add3A_137 : i32
      %dma_start3A_139 = tpu.memref_slice %arg4[%add3A_56, %add3A_138, %mul3A_0] : memref<32x128x18432xf32, #tpu.memory_space<hbm>> -> memref<1x1x6144xf32, #tpu.memory_space<hbm>>
      %dma_start3A_140 = tpu.memref_squeeze %dma_start3A_139 : memref<1x1x6144xf32, #tpu.memory_space<hbm>> -> memref<6144xf32, #tpu.memory_space<hbm>>
      %dma_start3A_141 = arith.constant 0 : i32
      %dma_start3A_142 = tpu.memref_slice %arg5[%squeeze3A_136, %dma_start3A_141] : memref<128x6144xf32, #tpu.memory_space<vmem_shared>> -> memref<1x6144xf32, #tpu.memory_space<vmem_shared>>
      %dma_start3A_143 = tpu.memref_squeeze %dma_start3A_142 : memref<1x6144xf32, #tpu.memory_space<vmem_shared>> -> memref<6144xf32, #tpu.memory_space<vmem_shared>>
      tpu.enqueue_dma source(%dma_start3A_143 : memref<6144xf32, #tpu.memory_space<vmem_shared>>) target(%dma_start3A_140 : memref<6144xf32, #tpu.memory_space<hbm>>) target_semaphore(%arg8 : memref<!tpu.dma_semaphore, #tpu.memory_space<semaphore_mem>>)
      %slice3A_144 = vector.extract_strided_slice %get3A_73 {offsets = [8], sizes = [1], strides = [1]} : vector<16xi32> to vector<1xi32>
      %squeeze3A_145 = vector.extract %slice3A_144[0] : i32 from vector<1xi32>
      %add3A_146 = arith.constant 8 : i32
      %add3A_147 = arith.addi %select_n3A_70, %add3A_146 : i32
      %dma_start3A_148 = tpu.memref_slice %arg4[%add3A_56, %add3A_147, %mul3A_0] : memref<32x128x18432xf32, #tpu.memory_space<hbm>> -> memref<1x1x6144xf32, #tpu.memory_space<hbm>>
      %dma_start3A_149 = tpu.memref_squeeze %dma_start3A_148 : memref<1x1x6144xf32, #tpu.memory_space<hbm>> -> memref<6144xf32, #tpu.memory_space<hbm>>
      %dma_start3A_150 = arith.constant 0 : i32
      %dma_start3A_151 = tpu.memref_slice %arg5[%squeeze3A_145, %dma_start3A_150] : memref<128x6144xf32, #tpu.memory_space<vmem_shared>> -> memref<1x6144xf32, #tpu.memory_space<vmem_shared>>
      %dma_start3A_152 = tpu.memref_squeeze %dma_start3A_151 : memref<1x6144xf32, #tpu.memory_space<vmem_shared>> -> memref<6144xf32, #tpu.memory_space<vmem_shared>>
      tpu.enqueue_dma source(%dma_start3A_152 : memref<6144xf32, #tpu.memory_space<vmem_shared>>) target(%dma_start3A_149 : memref<6144xf32, #tpu.memory_space<hbm>>) target_semaphore(%arg8 : memref<!tpu.dma_semaphore, #tpu.memory_space<semaphore_mem>>)
      %slice3A_153 = vector.extract_strided_slice %get3A_73 {offsets = [9], sizes = [1], strides = [1]} : vector<16xi32> to vector<1xi32>
      %squeeze3A_154 = vector.extract %slice3A_153[0] : i32 from vector<1xi32>
      %add3A_155 = arith.constant 9 : i32
      %add3A_156 = arith.addi %select_n3A_70, %add3A_155 : i32
      %dma_start3A_157 = tpu.memref_slice %arg4[%add3A_56, %add3A_156, %mul3A_0] : memref<32x128x18432xf32, #tpu.memory_space<hbm>> -> memref<1x1x6144xf32, #tpu.memory_space<hbm>>
      %dma_start3A_158 = tpu.memref_squeeze %dma_start3A_157 : memref<1x1x6144xf32, #tpu.memory_space<hbm>> -> memref<6144xf32, #tpu.memory_space<hbm>>
      %dma_start3A_159 = arith.constant 0 : i32
      %dma_start3A_160 = tpu.memref_slice %arg5[%squeeze3A_154, %dma_start3A_159] : memref<128x6144xf32, #tpu.memory_space<vmem_shared>> -> memref<1x6144xf32, #tpu.memory_space<vmem_shared>>
      %dma_start3A_161 = tpu.memref_squeeze %dma_start3A_160 : memref<1x6144xf32, #tpu.memory_space<vmem_shared>> -> memref<6144xf32, #tpu.memory_space<vmem_shared>>
      tpu.enqueue_dma source(%dma_start3A_161 : memref<6144xf32, #tpu.memory_space<vmem_shared>>) target(%dma_start3A_158 : memref<6144xf32, #tpu.memory_space<hbm>>) target_semaphore(%arg8 : memref<!tpu.dma_semaphore, #tpu.memory_space<semaphore_mem>>)
      %slice3A_162 = vector.extract_strided_slice %get3A_73 {offsets = [10], sizes = [1], strides = [1]} : vector<16xi32> to vector<1xi32>
      %squeeze3A_163 = vector.extract %slice3A_162[0] : i32 from vector<1xi32>
      %add3A_164 = arith.constant 10 : i32
      %add3A_165 = arith.addi %select_n3A_70, %add3A_164 : i32
      %dma_start3A_166 = tpu.memref_slice %arg4[%add3A_56, %add3A_165, %mul3A_0] : memref<32x128x18432xf32, #tpu.memory_space<hbm>> -> memref<1x1x6144xf32, #tpu.memory_space<hbm>>
      %dma_start3A_167 = tpu.memref_squeeze %dma_start3A_166 : memref<1x1x6144xf32, #tpu.memory_space<hbm>> -> memref<6144xf32, #tpu.memory_space<hbm>>
      %dma_start3A_168 = arith.constant 0 : i32
      %dma_start3A_169 = tpu.memref_slice %arg5[%squeeze3A_163, %dma_start3A_168] : memref<128x6144xf32, #tpu.memory_space<vmem_shared>> -> memref<1x6144xf32, #tpu.memory_space<vmem_shared>>
      %dma_start3A_170 = tpu.memref_squeeze %dma_start3A_169 : memref<1x6144xf32, #tpu.memory_space<vmem_shared>> -> memref<6144xf32, #tpu.memory_space<vmem_shared>>
      tpu.enqueue_dma source(%dma_start3A_170 : memref<6144xf32, #tpu.memory_space<vmem_shared>>) target(%dma_start3A_167 : memref<6144xf32, #tpu.memory_space<hbm>>) target_semaphore(%arg8 : memref<!tpu.dma_semaphore, #tpu.memory_space<semaphore_mem>>)
      %slice3A_171 = vector.extract_strided_slice %get3A_73 {offsets = [11], sizes = [1], strides = [1]} : vector<16xi32> to vector<1xi32>
      %squeeze3A_172 = vector.extract %slice3A_171[0] : i32 from vector<1xi32>
      %add3A_173 = arith.constant 11 : i32
      %add3A_174 = arith.addi %select_n3A_70, %add3A_173 : i32
      %dma_start3A_175 = tpu.memref_slice %arg4[%add3A_56, %add3A_174, %mul3A_0] : memref<32x128x18432xf32, #tpu.memory_space<hbm>> -> memref<1x1x6144xf32, #tpu.memory_space<hbm>>
      %dma_start3A_176 = tpu.memref_squeeze %dma_start3A_175 : memref<1x1x6144xf32, #tpu.memory_space<hbm>> -> memref<6144xf32, #tpu.memory_space<hbm>>
      %dma_start3A_177 = arith.constant 0 : i32
      %dma_start3A_178 = tpu.memref_slice %arg5[%squeeze3A_172, %dma_start3A_177] : memref<128x6144xf32, #tpu.memory_space<vmem_shared>> -> memref<1x6144xf32, #tpu.memory_space<vmem_shared>>
      %dma_start3A_179 = tpu.memref_squeeze %dma_start3A_178 : memref<1x6144xf32, #tpu.memory_space<vmem_shared>> -> memref<6144xf32, #tpu.memory_space<vmem_shared>>
      tpu.enqueue_dma source(%dma_start3A_179 : memref<6144xf32, #tpu.memory_space<vmem_shared>>) target(%dma_start3A_176 : memref<6144xf32, #tpu.memory_space<hbm>>) target_semaphore(%arg8 : memref<!tpu.dma_semaphore, #tpu.memory_space<semaphore_mem>>)
      %slice3A_180 = vector.extract_strided_slice %get3A_73 {offsets = [12], sizes = [1], strides = [1]} : vector<16xi32> to vector<1xi32>
      %squeeze3A_181 = vector.extract %slice3A_180[0] : i32 from vector<1xi32>
      %add3A_182 = arith.constant 12 : i32
      %add3A_183 = arith.addi %select_n3A_70, %add3A_182 : i32
      %dma_start3A_184 = tpu.memref_slice %arg4[%add3A_56, %add3A_183, %mul3A_0] : memref<32x128x18432xf32, #tpu.memory_space<hbm>> -> memref<1x1x6144xf32, #tpu.memory_space<hbm>>
      %dma_start3A_185 = tpu.memref_squeeze %dma_start3A_184 : memref<1x1x6144xf32, #tpu.memory_space<hbm>> -> memref<6144xf32, #tpu.memory_space<hbm>>
      %dma_start3A_186 = arith.constant 0 : i32
      %dma_start3A_187 = tpu.memref_slice %arg5[%squeeze3A_181, %dma_start3A_186] : memref<128x6144xf32, #tpu.memory_space<vmem_shared>> -> memref<1x6144xf32, #tpu.memory_space<vmem_shared>>
      %dma_start3A_188 = tpu.memref_squeeze %dma_start3A_187 : memref<1x6144xf32, #tpu.memory_space<vmem_shared>> -> memref<6144xf32, #tpu.memory_space<vmem_shared>>
      tpu.enqueue_dma source(%dma_start3A_188 : memref<6144xf32, #tpu.memory_space<vmem_shared>>) target(%dma_start3A_185 : memref<6144xf32, #tpu.memory_space<hbm>>) target_semaphore(%arg8 : memref<!tpu.dma_semaphore, #tpu.memory_space<semaphore_mem>>)
      %slice3A_189 = vector.extract_strided_slice %get3A_73 {offsets = [13], sizes = [1], strides = [1]} : vector<16xi32> to vector<1xi32>
      %squeeze3A_190 = vector.extract %slice3A_189[0] : i32 from vector<1xi32>
      %add3A_191 = arith.constant 13 : i32
      %add3A_192 = arith.addi %select_n3A_70, %add3A_191 : i32
      %dma_start3A_193 = tpu.memref_slice %arg4[%add3A_56, %add3A_192, %mul3A_0] : memref<32x128x18432xf32, #tpu.memory_space<hbm>> -> memref<1x1x6144xf32, #tpu.memory_space<hbm>>
      %dma_start3A_194 = tpu.memref_squeeze %dma_start3A_193 : memref<1x1x6144xf32, #tpu.memory_space<hbm>> -> memref<6144xf32, #tpu.memory_space<hbm>>
      %dma_start3A_195 = arith.constant 0 : i32
      %dma_start3A_196 = tpu.memref_slice %arg5[%squeeze3A_190, %dma_start3A_195] : memref<128x6144xf32, #tpu.memory_space<vmem_shared>> -> memref<1x6144xf32, #tpu.memory_space<vmem_shared>>
      %dma_start3A_197 = tpu.memref_squeeze %dma_start3A_196 : memref<1x6144xf32, #tpu.memory_space<vmem_shared>> -> memref<6144xf32, #tpu.memory_space<vmem_shared>>
      tpu.enqueue_dma source(%dma_start3A_197 : memref<6144xf32, #tpu.memory_space<vmem_shared>>) target(%dma_start3A_194 : memref<6144xf32, #tpu.memory_space<hbm>>) target_semaphore(%arg8 : memref<!tpu.dma_semaphore, #tpu.memory_space<semaphore_mem>>)
      %slice3A_198 = vector.extract_strided_slice %get3A_73 {offsets = [14], sizes = [1], strides = [1]} : vector<16xi32> to vector<1xi32>
      %squeeze3A_199 = vector.extract %slice3A_198[0] : i32 from vector<1xi32>
      %add3A_200 = arith.constant 14 : i32
      %add3A_201 = arith.addi %select_n3A_70, %add3A_200 : i32
      %dma_start3A_202 = tpu.memref_slice %arg4[%add3A_56, %add3A_201, %mul3A_0] : memref<32x128x18432xf32, #tpu.memory_space<hbm>> -> memref<1x1x6144xf32, #tpu.memory_space<hbm>>
      %dma_start3A_203 = tpu.memref_squeeze %dma_start3A_202 : memref<1x1x6144xf32, #tpu.memory_space<hbm>> -> memref<6144xf32, #tpu.memory_space<hbm>>
      %dma_start3A_204 = arith.constant 0 : i32
      %dma_start3A_205 = tpu.memref_slice %arg5[%squeeze3A_199, %dma_start3A_204] : memref<128x6144xf32, #tpu.memory_space<vmem_shared>> -> memref<1x6144xf32, #tpu.memory_space<vmem_shared>>
      %dma_start3A_206 = tpu.memref_squeeze %dma_start3A_205 : memref<1x6144xf32, #tpu.memory_space<vmem_shared>> -> memref<6144xf32, #tpu.memory_space<vmem_shared>>
      tpu.enqueue_dma source(%dma_start3A_206 : memref<6144xf32, #tpu.memory_space<vmem_shared>>) target(%dma_start3A_203 : memref<6144xf32, #tpu.memory_space<hbm>>) target_semaphore(%arg8 : memref<!tpu.dma_semaphore, #tpu.memory_space<semaphore_mem>>)
      %slice3A_207 = vector.extract_strided_slice %get3A_73 {offsets = [15], sizes = [1], strides = [1]} : vector<16xi32> to vector<1xi32>
      %squeeze3A_208 = vector.extract %slice3A_207[0] : i32 from vector<1xi32>
      %add3A_209 = arith.constant 15 : i32
      %add3A_210 = arith.addi %select_n3A_70, %add3A_209 : i32
      %dma_start3A_211 = tpu.memref_slice %arg4[%add3A_56, %add3A_210, %mul3A_0] : memref<32x128x18432xf32, #tpu.memory_space<hbm>> -> memref<1x1x6144xf32, #tpu.memory_space<hbm>>
      %dma_start3A_212 = tpu.memref_squeeze %dma_start3A_211 : memref<1x1x6144xf32, #tpu.memory_space<hbm>> -> memref<6144xf32, #tpu.memory_space<hbm>>
      %dma_start3A_213 = arith.constant 0 : i32
      %dma_start3A_214 = tpu.memref_slice %arg5[%squeeze3A_208, %dma_start3A_213] : memref<128x6144xf32, #tpu.memory_space<vmem_shared>> -> memref<1x6144xf32, #tpu.memory_space<vmem_shared>>
      %dma_start3A_215 = tpu.memref_squeeze %dma_start3A_214 : memref<1x6144xf32, #tpu.memory_space<vmem_shared>> -> memref<6144xf32, #tpu.memory_space<vmem_shared>>
      tpu.enqueue_dma source(%dma_start3A_215 : memref<6144xf32, #tpu.memory_space<vmem_shared>>) target(%dma_start3A_212 : memref<6144xf32, #tpu.memory_space<hbm>>) target_semaphore(%arg8 : memref<!tpu.dma_semaphore, #tpu.memory_space<semaphore_mem>>)
    }
    %scan3A_22 = arith.constant 16 : i32
    %scan3A_23 = arith.constant 0 : i32
    %scan3A_24 = arith.constant 0 : i32
    %scan3A_25 = arith.constant 2048 : i32
    %scan3A_26 = arith.addi %scan3A_24, %scan3A_25 : i32
    %scan3A_27 = arith.constant 1 : i32
    scf.for %scan3A_35 = %scan3A_24 to %scan3A_26 step %scan3A_27  : i32 {
      %dma_wait3A_36 = arith.constant 0 : i32
      %dma_wait3A_37 = arith.constant 0 : i32
      %dma_wait3A_38 = arith.constant 0 : i32
      %dma_wait3A_39 = tpu.memref_slice %arg6[%dma_wait3A_36, %dma_wait3A_38] : memref<128x384xf32, #tpu.memory_space<vmem>> -> memref<1x384xf32, #tpu.memory_space<vmem>>
      %dma_wait3A_40 = tpu.memref_squeeze %dma_wait3A_39 : memref<1x384xf32, #tpu.memory_space<vmem>> -> memref<384xf32, #tpu.memory_space<vmem>>
      %dma_wait3A_41 = tpu.memref_slice %arg4[%mul3A_5, %dma_wait3A_37, %add3A_3] : memref<32x128x18432xf32, #tpu.memory_space<hbm>> -> memref<1x1x384xf32, #tpu.memory_space<hbm>>
      %dma_wait3A_42 = tpu.memref_squeeze %dma_wait3A_41 : memref<1x1x384xf32, #tpu.memory_space<hbm>> -> memref<384xf32, #tpu.memory_space<hbm>>
      %dma_wait3A_43 = tpu.memref_slice %arg4[%mul3A_5, %dma_wait3A_37, %add3A_3] : memref<32x128x18432xf32, #tpu.memory_space<hbm>> -> memref<1x1x384xf32, #tpu.memory_space<hbm>>
      %dma_wait3A_44 = tpu.memref_squeeze %dma_wait3A_43 : memref<1x1x384xf32, #tpu.memory_space<hbm>> -> memref<384xf32, #tpu.memory_space<hbm>>
      %dma_wait3A_45 = arith.constant 0 : i32
      %dma_wait3A_46 = tpu.memref_slice %arg6[%dma_wait3A_36, %dma_wait3A_45] : memref<128x384xf32, #tpu.memory_space<vmem>> -> memref<1x384xf32, #tpu.memory_space<vmem>>
      %dma_wait3A_47 = tpu.memref_squeeze %dma_wait3A_46 : memref<1x384xf32, #tpu.memory_space<vmem>> -> memref<384xf32, #tpu.memory_space<vmem>>
      tpu.wait_dma2 semaphore(%arg9 : memref<!tpu.dma_semaphore, #tpu.memory_space<semaphore_mem>>) src(%dma_wait3A_47 : memref<384xf32, #tpu.memory_space<vmem>>) dst(%dma_wait3A_44 : memref<384xf32, #tpu.memory_space<hbm>>)
    }
    %scan3A_28 = arith.constant 2048 : i32
    %scan3A_29 = arith.constant 0 : i32
    %scan3A_30 = arith.constant 0 : i32
    %scan3A_31 = arith.constant 256 : i32
    %scan3A_32 = arith.addi %scan3A_30, %scan3A_31 : i32
    %scan3A_33 = arith.constant 1 : i32
    scf.for %scan3A_35 = %scan3A_30 to %scan3A_32 step %scan3A_33  : i32 {
      %mul3A_36 = arith.constant 2 : i32
      %mul3A_37 = arith.muli %arg1, %mul3A_36 : i32
      %dma_wait3A_38 = arith.constant 0 : i32
      %dma_wait3A_39 = arith.constant 0 : i32
      %dma_wait3A_40 = tpu.memref_slice %arg4[%mul3A_37, %dma_wait3A_39, %mul3A_0] : memref<32x128x18432xf32, #tpu.memory_space<hbm>> -> memref<1x1x6144xf32, #tpu.memory_space<hbm>>
      %dma_wait3A_41 = tpu.memref_squeeze %dma_wait3A_40 : memref<1x1x6144xf32, #tpu.memory_space<hbm>> -> memref<6144xf32, #tpu.memory_space<hbm>>
      %dma_wait3A_42 = arith.constant 0 : i32
      %dma_wait3A_43 = tpu.memref_slice %arg5[%dma_wait3A_38, %dma_wait3A_42] : memref<128x6144xf32, #tpu.memory_space<vmem_shared>> -> memref<1x6144xf32, #tpu.memory_space<vmem_shared>>
      %dma_wait3A_44 = tpu.memref_squeeze %dma_wait3A_43 : memref<1x6144xf32, #tpu.memory_space<vmem_shared>> -> memref<6144xf32, #tpu.memory_space<vmem_shared>>
      tpu.wait_dma2 semaphore(%arg8 : memref<!tpu.dma_semaphore, #tpu.memory_space<semaphore_mem>>) src(%dma_wait3A_44 : memref<6144xf32, #tpu.memory_space<vmem_shared>>) dst(%dma_wait3A_41 : memref<6144xf32, #tpu.memory_space<hbm>>)
    }
    %scan3A_34 = arith.constant 256 : i32
    return
  }
}

</mosaic_0001>

<sc_bundles>
// kernel: kernel.3.cloned.1.call-start
scs
__scs_entry_jumppad:
0x0: {  	(pc) =	sbr.rel $0x88, $3  }
0x1: {  	(tag) =	ssettag $0x0;
	lr =	simm.s32 $0x1  }
0x2: {  	[smem:$0x3F9F] =	sst lr;
	_ =	strace $0xD0000000  }
0x3: {  	_ = 	snop  }
0x4: {  	_ = 	snop  }
0x5: {  	_ = 	snop  }
0x6: {  	_ = 	snop  }
0x7: {  	_ = 	snop  }
__scs_overlays_trampoline_lowered:
0x8: {  	[smem:$0x3FAE] =	sst s0  }
0x9: {  	[smem:$0x3FAF] =	sst s1  }
0xa: {  	[smem:$0x3FB0] =	sst s2  }
0xb: {  	[smem:$0x3FB1] =	sst s3  }
0xc: {  	[smem:$0x3FB2] =	sst s4  }
0xd: {  	[smem:$0x3FB3] =	sst s5  }
0xe: {  	[smem:$0x3FB4] =	sst s6  }
0xf: {  	[smem:$0x3FB5] =	sst s7  }
0x10: {  	[smem:$0x3FB6] =	sst s8  }
0x11: {  	[smem:$0x3FB7] =	sst s9;
	s0 =	simm.s32 @!p0 $0x0  }
0x12: {  	s1 =	sld [smem:$0x3F9D];
	s0 =	simm.s32 @p0 $0x1  }
0x13: {  	[smem:$0x3FB8] =	sst s0;
	s0 =	simm.s32 @!p1 $0x0  }
0x14: {  	s2 =	sld [smem:$0x3F9C];
	s0 =	simm.s32 @p1 $0x1  }
0x15: {  	[smem:$0x3FB9] =	sst s0;
	s0 =	simm.s32 @!p2 $0x0  }
0x16: {  	s3 =	sld [smem:$0x3FDB];
	s0 =	simm.s32 @p2 $0x1  }
0x17: {  	s4 =	simm.s32 $0x1BF5;
	[smem:$0x3FBB] =	sst s0  }
0x18: {  	s0 =	sld [smem:$0x3F9E];
	_ =	swait.ge [sflag:s4], $0x0  }
0x19: {  	s7 =	sld [smem:$0x3F9F]  }
0x1a: {  	s8 =	sadd.s32 $0xFFFFE003, lr  }
0x1b: {  	s9 =	sadd.s32 $0xFFFFFEF7, lr;
	s5 =	simm.s32 $0xFFFFFFFF;
	p2 =	slt.u32 s8, $0xFFFFF086  }
0x1c: {  	p1 =	slt.u32 s9, $0xF7A;
	s5 =	simm.s32 @!p2 $0x0  }
0x1d: {  	s5 =	simm.s32 @p1 $0x1;
	p0 =	seq.s32 s7, s2  }
0x1e: {  	s7 =	smul.u32 @!p0 $0xF7A, s2;
	p2 =	seq.s32 @!p0 s5, $0x0  }
0x1f: {  	s9 =	smul.u32 $0xF7A, s1;
	s8 =	simm.s32 @!p0 $0x1BF5;
	p2 =	por !p2, p0  }
0x20: {  	[sflag:s8] =	ssyncset.s32 @!p0 $0xFFFFF086;
	s6 =	sadd.s32 @!p0 s3, s7;
	s7 =	simm.s32 @!p0 $0x108  }
0x21: {  	s3 =	sadd.s32 s3, s9;
	s6 =	sadd.s32 @!p0 $0x88, s6;
	s7 =	simm.s32 @p2 $0x1082  }
0x22: {  	[simem:s7], [sflag:s8] =	dma.local @!p0 [hbm:s6], $0xF7A  }
0x23: {  	s9 =	sor.u32 $0xD0000000, s2;
	s6 =	simm.s32 $0x108;
	_ =	swait.ge @!p0 [sflag:s8], $0x0  }
0x24: {  	s3 =	sadd.s32 $0x88, s3;
	s6 =	simm.s32 @!p1 $0x1082;
	[sflag:s4] =	ssyncset.s32 $0xFFFFF086  }
0x25: {  	[simem:s6], [sflag:s4] =	dma.local [hbm:s3], $0xF7A  }
0x26: {  	[smem:$0x3F9F] =	sst s1;
	(tag) =	ssettag s2;
	_ =	strace s9  }
0x27: {  	s1 =	sld [smem:$0x3FAF]  }
0x28: {  	s2 =	sld [smem:$0x3FB0]  }
0x29: {  	s4 =	sld [smem:$0x3FB2]  }
0x2a: {  	p0 =	seq.s32 s5, $0x0;
	s5 =	sld [smem:$0x3FB3]  }
0x2b: {  	s6 =	sld [smem:$0x3FB4]  }
0x2c: {  	s7 =	sld [smem:$0x3FB5]  }
0x2d: {  	s3 =	simm.s32 $0x108;
	s8 =	sld [smem:$0x3FB6]  }
0x2e: {  	s3 =	simm.s32 @!p0 $0x1082;
	s9 =	sld [smem:$0x3FB7]  }
0x2f: {  	lr =	sadd.s32 s0, s3;
	s0 =	sld [smem:$0x3FAE]  }
0x30: {  	s3 =	sld [smem:$0x3FB1]  }
0x31: {  	[smem:$0x3FBA] =	sst s10  }
0x32: {  	s10 =	sld [smem:$0x3FB8];
	_ =	sdelay $0x3  }
0x33: {  	p0 =	seq.s32 s10, $0x1;
	s10 =	sld [smem:$0x3FBA];
	_ =	sdelay $0x3  }
0x34: {  	[smem:$0x3FBA] =	sst s10  }
0x35: {  	s10 =	sld [smem:$0x3FB9];
	_ =	sdelay $0x3  }
0x36: {  	p1 =	seq.s32 s10, $0x1;
	s10 =	sld [smem:$0x3FBA];
	_ =	sdelay $0x3  }
0x37: {  	[smem:$0x3FBA] =	sst s10  }
0x38: {  	s10 =	sld [smem:$0x3FBB]  }
0x39: {  	_ = 	snop;
	(pc) =	sbr.ind lr, $3  }
0x3a: {  	_ = 	snop  }
0x3b: {  	_ = 	snop  }
0x3c: {  	p2 =	seq.s32 s10, $0x1;
	s10 =	sld [smem:$0x3FBA]  }
0x3d: {  	_ =	shalt  }
0x3e: {  	_ =	shalt  }
0x3f: {  	_ =	shalt  }
0x40: {  	_ =	shalt  }
0x41: {  	_ =	shalt  }
0x42: {  	_ =	shalt  }
0x43: {  	_ =	shalt  }
0x44: {  	_ =	shalt  }
0x45: {  	_ =	shalt  }
0x46: {  	_ =	shalt  }
0x47: {  	_ =	shalt  }
0x48: {  	_ =	shalt  }
0x49: {  	_ =	shalt  }
0x4a: {  	_ =	shalt  }
0x4b: {  	_ =	shalt  }
0x4c: {  	_ =	shalt  }
0x4d: {  	_ =	shalt  }
0x4e: {  	_ =	shalt  }
0x4f: {  	_ =	shalt  }
0x50: {  	_ =	shalt  }
0x51: {  	_ =	shalt  }
0x52: {  	_ =	shalt  }
0x53: {  	_ =	shalt  }
0x54: {  	_ =	shalt  }
0x55: {  	_ =	shalt  }
0x56: {  	_ =	shalt  }
0x57: {  	_ =	shalt  }
0x58: {  	_ =	shalt  }
0x59: {  	_ =	shalt  }
0x5a: {  	_ =	shalt  }
0x5b: {  	_ =	shalt  }
0x5c: {  	_ =	shalt  }
0x5d: {  	_ =	shalt  }
0x5e: {  	_ =	shalt  }
0x5f: {  	_ =	shalt  }
0x60: {  	_ =	shalt  }
0x61: {  	_ =	shalt  }
0x62: {  	_ =	shalt  }
0x63: {  	_ =	shalt  }
0x64: {  	_ =	shalt  }
0x65: {  	_ =	shalt  }
0x66: {  	_ =	shalt  }
0x67: {  	_ =	shalt  }
0x68: {  	_ =	shalt  }
0x69: {  	_ =	shalt  }
0x6a: {  	_ =	shalt  }
0x6b: {  	_ =	shalt  }
0x6c: {  	_ =	shalt  }
0x6d: {  	_ =	shalt  }
0x6e: {  	_ =	shalt  }
0x6f: {  	_ =	shalt  }
0x70: {  	_ =	shalt  }
0x71: {  	_ =	shalt  }
0x72: {  	_ =	shalt  }
0x73: {  	_ =	shalt  }
0x74: {  	_ =	shalt  }
0x75: {  	_ =	shalt  }
0x76: {  	_ =	shalt  }
0x77: {  	_ =	shalt  }
0x78: {  	_ =	shalt  }
0x79: {  	_ =	shalt  }
0x7a: {  	_ =	shalt  }
0x7b: {  	_ =	shalt  }
0x7c: {  	_ =	shalt  }
0x7d: {  	_ =	shalt  }
0x7e: {  	_ =	shalt  }
0x7f: {  	_ =	shalt  }
0x80: {  	_ =	shalt  }
0x81: {  	_ =	shalt  }
0x82: {  	_ =	shalt  }
0x83: {  	_ =	shalt  }
0x84: {  	_ =	shalt  }
0x85: {  	_ =	shalt  }
0x86: {  	_ =	shalt  }
0x87: {  	_ =	shalt  }
.Lfunc_end0:
.L_simem_size_0:
called_computation_lowered:
.L_overlay_start_0:
0x88: {  	s2 =	sld [smem:$0x3FD9]  }
0x89: {  	s3 =	sld [smem:$0x3FFE];
	_ =	sdelay $0x1  }
0x8a: {  	s1 =	srdreg.scid  }
0x8b: {  	s0 =	sand.u32 $0x1, s1  }
0x8c: {  	s18 =	sshll.u32 s0, $0xA;
	s2 =	sadd.s32 s3, s2  }
0x8d: {  	s2 =	sadd.s32 s2, s18  }
0x8e: {  	[smem:$0x3FC6] =	sst s2  }
0x8f: {  	_ = 	snop  }
0x90: {  	s2 =	sld [smem:$0x3FC9]  }
0x91: {  	s19 =	sld [smem:$0x3FC8]  }
0x92: {  	s4 =	sld [smem:$0x3FD0];
	(tm) =	ssettm $0x1  }
0x93: {  	s5 =	sld [smem:$0x3FFB];
	_ =	sdelay $0x3  }
0x94: {  	_ =	strace s5  }
0x95: {  	s5 =	sld [smem:$0x3FFC];
	_ =	sdelay $0x3  }
0x96: {  	_ =	strace s5  }
0x97: {  	s5 =	sld [smem:$0x3FFD];
	_ =	sdelay $0x3  }
0x98: {  	_ =	strace s5  }
0x99: {  	_ =	strace $0x8FFFFFFF  }
0x9a: {  	s20 =	sld [smem:$0x3FDB];
	_ =	sdelay $0x1  }
0x9b: {  	s6 =	simm.s32 $_scs_section_size  }
0x9c: {  	s7 =	simm.s32 $_size__tile_overlayer_lowered;
	s8 =	simm.s32 $_tile_overlayer_lowered  }
0x9d: {  	s23 =	simm.s32 $0x1BFF;
	s22 =	sshll.u32 s8, $0x1;
	s5 =	sadd.s32 s6, s20  }
0x9e: {  	s9 =	simm.s32 $0x0;
	s21 =	sshll.u32 s7, $0x1;
	s7 =	sadd.s32 s22, s5  }
0x9f: {  	[timem:s9], [sflag:s23] =	dma.local [hbm:s7], s21  }
0xa0: {  	_ =	swait.ge [sflag:s23], s21  }
0xa1: {  	s6 =	ssub.s32 $0x0, s21;
	[sflag:s23] =	ssyncset.done $0x0  }
0xa2: {  	[sflag:s23] =	ssyncadd.s32 s6;
	_ =	sdelay $0x1  }
0xa3: {  	s24 =	simm.s32 $0x1B8B  }
0xa4: {  	_ =	swait.ge [sflag:s24], $0x1  }
0xa5: {  	[sflag:s24] =	ssyncset.done $0x0  }
0xa6: {  	s25 =	simm.s32 $0x1B8E;
	[sflag:s24] =	ssyncadd.s32 $0xFFFFFFFF  }
0xa7: {  	s26 =	simm.s32 $execute0_lowered;
	[smem:$0x3FD2] =	sst s25  }
0xa8: {  	s6 =	sshll.u32 s26, $0x1;
	_ =	strace $0x80000046;
	[dreg:$0x1] =	wrdreg $0xFFFFFFFF  }
0xa9: {  	s28 =	simm.s32 $_size_execute0_lowered;
	s5 =	sadd.s32 s5, s6;
	[dreg:$0x0] =	wrdreg $0x0  }
0xaa: {  	s6 =	sshll.u32 s28, $0x1;
	[dreg:$0x2] =	wrdreg s5  }
0xab: {  	[dreg:$0x3] =	wrdreg s6  }
0xac: {  	[dreg:$0x4] =	wrdreg $0xC0  }
0xad: {  	_ =	task [dreg:s9], $0x5FFFF  }
0xae: {  	[dreg:$0x1] =	wrdreg $0xFFFFFFFF  }
0xaf: {  	[dreg:$0x0] =	wrdreg $0x60  }
0xb0: {  	[dreg:$0x2] =	wrdreg s2  }
0xb1: {  	[dreg:$0x3] =	wrdreg s19  }
0xb2: {  	[dreg:$0x4] =	wrdreg s4  }
0xb3: {  	[dreg:$0x5] =	wrdreg $0x0  }
0xb4: {  	[dreg:$0x6] =	wrdreg $0x9  }
0xb5: {  	_ =	task.clear_ibuf [dreg:s9], $0x7FFFF;
	_ =	strace $0x90000046  }
0xb6: {  	s29 =	simm.s32 $0x9;
	_ =	strace $0x80000048  }
0xb7: {  	_ =	swait.ge [sflag:s29], $0x1  }
0xb8: {  	[sflag:s29] =	ssyncadd.s32 $0xFFFFFFFF  }
0xb9: {  	_ =	strace $0x90000048  }
0xba: {  	_ =	sfence  }
0xbb: {  	s30 =	sld [smem:$0x0];
	_ =	sdelay $0x2  }
0xbc: {  	s31 =	sshll.u32 s1, $0xD;
	s1 =	sshrl.u32 s1, $0x2  }
0xbd: {  	s3 =	sand.u32 $0x4000, s31;
	s1 =	sadd.s32 s1, s30  }
0xbe: {  	s0 =	sor.u32 s3, s0;
	s1 =	sshll.u32 s1, $0x11  }
0xbf: {  	s0 =	sor.u32 s1, s0  }
0xc0: {  	s0 =	sadd.s32 $0x8F2B, s0  }
0xc1: {  	[sflag:s0] =	ssyncadd.remote.s32 $0x1  }
0xc2: {  	_ =	sfence.sel $0xFFFF  }
0xc3: {  	[dreg:$0x0] =	wrdreg $0xFFFFFFFF;
	(pc) =	sbr.abs _section_cstart, $3  }
0xc4: {  	[dreg:$0x1] =	wrdreg $0xFFFFFFFF  }
0xc5: {  	_ =	task.clear_ibuf [dreg:s9], $0x2FFFF;
	_ =	strace $0x9FFFFFFF  }
0xc6: {  	(tm) =	ssettm $0x7FFFFFFF  }
0xc7: {  	_ =	shalt  }
tec
execute0_lowered:
.L_overlay_start_1:
0x0: {  	(tag) =	ssettag $0x1  }
0x1: {  	s0 =	rddreg [dreg:$0x1]  }
0x2: {  	s13 =	rddreg [dreg:$0x2]  }
0x3: {  	s18 =	rddreg [dreg:$0x3];
	s10 =	simm.s32 $0x0;
	s8 =	stileid.u32  }
0x4: {  	[smem:$0x7FF] =	sst s10;
	s23 =	sshll.u32 s8, $0x6  }
0x5: {  	s26 =	sshll.u32 s8, $0x1;
	_ =	strace $0x80000047;
	[dreg:$0x14] =	wrdreg s23  }
0x6: {  	s19 =	sadd.s32 $0x50, s13;
	[dreg:$0x5] =	wrdreg s26  }
0x7: {  	s14 =	sadd.s32 $0x30, s13;
	[dreg:$0x8] =	wrdreg s19  }
0x8: {  	s1 =	srdreg.scid;
	s15 =	sadd.s32 $0x40, s13;
	[dreg:$0x9] =	wrdreg s14  }
0x9: {  	s1 =	sand.u32 $0x1, s1;
	s20 =	sadd.s32 $0x60, s13;
	[dreg:$0xa] =	wrdreg s15  }
0xa: {  	s7 =	smul.u32 $0xC00, s8;
	s16 =	sadd.s32 $0x20, s13;
	[dreg:$0xb] =	wrdreg s20  }
0xb: {  	s3 =	sadd.s32 $0x10, s13;
	s11 =	smul.u32 $0xC000, s1;
	[dreg:$0xc] =	wrdreg s16  }
0xc: {  	s2 =	ssub.s32 $0x2, s1;
	s1 =	sshll.u32 s1, $0x4;
	[dreg:$0xd] =	wrdreg s3  }
0xd: {  	[dreg:$0x10] =	wrdreg s1;
	s25 =	sadd.s32 $0x3C000, s7  }
0xe: {  	s4 =	smul.u32 $0x24000, s8;
	s12 =	sadd.s32 $0x18000, s7;
	[dreg:$0x11] =	wrdreg s25  }
0xf: {  	s6 =	smul.u32 $0x30000, s8;
	s5 =	sshrl.u32 s2, $0x1;
	[dreg:$0x13] =	wrdreg s12  }
0x10: {  	s2 =	ssub.s32 s2, s5;
	s5 =	sor.u32 $0x1C03, s23;
	[dreg:$0xe] =	wrdreg s11  }
0x11: {  	s4 =	sadd.s32 s11, s4;
	s29 =	sadd.s32 $0x24000, s11;
	[dreg:$0x15] =	wrdreg s5  }
0x12: {  	s21 =	sshrl.u32 s4, $0x3;
	[dreg:$0x6] =	wrdreg s29;
	s30 =	smax.u32 s2, $0x1  }
0x13: {  	s24 =	sshrl.u32 s12, $0x3;
	s1 =	sadd.s32 s0, s21;
	[dreg:$0x17] =	wrdreg s30  }
0x14: {  	s22 =	sshrl.u32 s6, $0x2;
	s0 =	sadd.s32 s0, s24;
	[dreg:$0x12] =	wrdreg s1  }
0x15: {  	s21 =	sadd.s32 $0x70, s13;
	s1 =	sadd.s32 s22, s18;
	[dreg:$0x16] =	wrdreg s0  }
0x16: {  	s28 =	simm.s32 $0x80;
	[dreg:$0x7] =	wrdreg s21;
	s31 =	sshrl.u32 s1, $0x3  }
0x17: {  	s23 =	simm.s32 $0x1;
	s1 =	simm.s32 $0x0;
	[dreg:$0x18] =	wrdreg s31  }
.LBB2_1:
0x18: {  	[dreg:$0x19] =	wrdreg s1  }
0x19: {  	s0 =	rddreg [dreg:$0x12]  }
0x1a: {  	s25 =	rddreg [dreg:$0x15]  }
0x1b: {  	s2 =	rddreg [dreg:$0x18]  }
0x1c: {  	[spmem:s2], [sflag:s25] =	dma.local [hbm:s0], $0x1800  }
0x1d: {  	s26 =	simm.s32 $0x18000;
	s29 =	simm.s32 $0x4;
	s0 =	rddreg [dreg:$0x0]  }
0x1e: {  	[tilespmem:s26], [sflag:$0x4] =	stream.linear.gather [hbm4b:s0+s10], $0x1000, $0x38;
	[tilespmem:$0x19000] =	vst v63  }
0x1f: {  	_ =	swait.ge [sflag:s29], $0x1000  }
0x20: {  	s31 =	simm.s32 $0xC00;
	s4 =	simm.s32 $0x24000;
	[sflag:s29] =	ssyncset.done $0x0  }
0x21: {  	s5 =	simm.s32 $0xC000;
	s30 =	rddreg [dreg:$0x16];
	[sflag:s29] =	ssyncadd.s32 $0xFFFFF000  }
0x22: {  	[tilespmem:s5], [sflag:$0x4] =	stream.strided.gather [hbm4b:s30+s31], $0xC000, s4, s31, $0x38;
	[tilespmem:$0x19000] =	vst v63  }
0x23: {  	_ =	swait.ge [sflag:s29], $0xC000  }
0x24: {  	[sflag:s29] =	ssyncset.done $0x0  }
0x25: {  	s1 =	simm.s32 $0x0;
	s0 =	simm.s32 $0x0;
	[sflag:s29] =	ssyncadd.s32 $0xFFFF4000  }
.LBB2_2:
0x26: {  	s2 =	rddreg [dreg:$0x10];
	s4 =	sshrl.u32 s1, $0x3  }
0x27: {  	s2 =	sadd.s32 s2, s4  }
0x28: {  	s4 =	sshll.u32 s2, $0x7  }
0x29: {  	s5 =	sand.u32 $0x70, s0;
	s4 =	sand.u32 $0x3FFFFF80, s4  }
0x2a: {  	s4 =	sor.u32 s5, s4  }
0x2b: {  	v0 =	vld [tilespmem:s4+$0x18000];
	_ =	sdelay $0x4  }
0x2c: {  	(v2sf) =	vpush v0, $0x0;
	_ =	sdelay $0x9  }
0x2d: {  	(v2sf) =	vpush v0, $0x1;
	_ =	sdelay $0x3  }
0x2e: {  	s24 =	sshrl.u32 s5, $0x3  }
0x2f: {  	s7 =	smul.u32 $0x24000, s24;
	s25 =	spop (v2sf)  }
0x30: {  	s4 =	smul.u32 $0x240000, s2;
	s26 =	sshrl.u32 s25, $0x3  }
0x31: {  	s2 =	smul.u32 $0x3000, s26  }
0x32: {  	s6 =	sor.u32 s12, s4;
	s5 =	sshll.u32 s25, $0x7  }
0x33: {  	s6 =	sadd.s32 s7, s6;
	(v2sf) =	vpush v0, $0x2;
	s5 =	sand.u32 $0x380, s5;
	s2 =	sshra.s32 s2, $0x2  }
0x34: {  	s9 =	sshrl.u32 s6, $0x3;
	s2 =	sor.u32 s5, s2  }
0x35: {  	s29 =	sadd.s32 s13, s9;
	s30 =	sadd.s32 $0xC000, s2  }
0x36: {  	[hbm4b:s29+s10] =	stream.linear.scatter [tilespmem:s30], [sflag:$0x2], $0x80, $0x38;
	[tilespmem:$0x19000] =	vst v63  }
0x37: {  	s8 =	sadd.s32 $0x80, s29;
	s31 =	sadd.s32 $0xC400, s2  }
0x38: {  	[hbm4b:s8+s10] =	stream.linear.scatter [tilespmem:s31], [sflag:$0x2], $0x80, $0x38;
	[tilespmem:$0x19000] =	vst v63  }
0x39: {  	s8 =	spop (v2sf)  }
0x3a: {  	s5 =	sadd.s32 $0x100, s29;
	s2 =	sadd.s32 $0xC800, s2;
	s17 =	sshrl.u32 s8, $0x3  }
0x3b: {  	[hbm4b:s5+s10] =	stream.linear.scatter [tilespmem:s2], [sflag:$0x2], $0x80, $0x38;
	[tilespmem:$0x19000] =	vst v63  }
0x3c: {  	s5 =	smul.u32 $0x3000, s17  }
0x3d: {  	(v2sf) =	vpush v0, $0x3;
	s2 =	sshll.u32 s8, $0x7  }
0x3e: {  	s2 =	sand.u32 $0x380, s2;
	s5 =	sshra.s32 s5, $0x2  }
0x3f: {  	s2 =	sor.u32 s2, s5  }
0x40: {  	s22 =	sadd.s32 s9, s3;
	s24 =	sadd.s32 $0xC000, s2  }
0x41: {  	[hbm4b:s22+s10] =	stream.linear.scatter [tilespmem:s24], [sflag:$0x2], $0x80, $0x38;
	[tilespmem:$0x19000] =	vst v63  }
0x42: {  	s26 =	sadd.s32 $0x80, s22;
	s25 =	sadd.s32 $0xC400, s2;
	s29 =	spop (v2sf)  }
0x43: {  	[hbm4b:s26+s10] =	stream.linear.scatter [tilespmem:s25], [sflag:$0x2], $0x80, $0x38;
	[tilespmem:$0x19000] =	vst v63  }
0x44: {  	s5 =	sadd.s32 $0x100, s22;
	s2 =	sadd.s32 $0xC800, s2;
	s30 =	sshrl.u32 s29, $0x3  }
0x45: {  	[hbm4b:s5+s10] =	stream.linear.scatter [tilespmem:s2], [sflag:$0x2], $0x80, $0x38;
	[tilespmem:$0x19000] =	vst v63  }
0x46: {  	s5 =	smul.u32 $0x3000, s30  }
0x47: {  	(v2sf) =	vpush v0, $0x4;
	s2 =	sshll.u32 s29, $0x7  }
0x48: {  	s2 =	sand.u32 $0x380, s2;
	s5 =	sshra.s32 s5, $0x2  }
0x49: {  	s2 =	sor.u32 s2, s5  }
0x4a: {  	s31 =	sadd.s32 s9, s16;
	s8 =	sadd.s32 $0xC000, s2  }
0x4b: {  	[hbm4b:s31+s10] =	stream.linear.scatter [tilespmem:s8], [sflag:$0x2], $0x80, $0x38;
	[tilespmem:$0x19000] =	vst v63  }
0x4c: {  	s22 =	sadd.s32 $0x80, s31;
	s17 =	sadd.s32 $0xC400, s2;
	s24 =	spop (v2sf)  }
0x4d: {  	[hbm4b:s22+s10] =	stream.linear.scatter [tilespmem:s17], [sflag:$0x2], $0x80, $0x38;
	[tilespmem:$0x19000] =	vst v63  }
0x4e: {  	s5 =	sadd.s32 $0x100, s31;
	s2 =	sadd.s32 $0xC800, s2;
	s25 =	sshrl.u32 s24, $0x3  }
0x4f: {  	[hbm4b:s5+s10] =	stream.linear.scatter [tilespmem:s2], [sflag:$0x2], $0x80, $0x38;
	[tilespmem:$0x19000] =	vst v63  }
0x50: {  	s5 =	smul.u32 $0x3000, s25  }
0x51: {  	(v2sf) =	vpush v0, $0x5;
	s2 =	sshll.u32 s24, $0x7  }
0x52: {  	s2 =	sand.u32 $0x380, s2;
	s5 =	sshra.s32 s5, $0x2  }
0x53: {  	s2 =	sor.u32 s2, s5  }
0x54: {  	s26 =	sadd.s32 s9, s14;
	s29 =	sadd.s32 $0xC000, s2  }
0x55: {  	[hbm4b:s26+s10] =	stream.linear.scatter [tilespmem:s29], [sflag:$0x2], $0x80, $0x38;
	[tilespmem:$0x19000] =	vst v63  }
0x56: {  	s31 =	sadd.s32 $0x80, s26;
	s8 =	spop (v2sf);
	s30 =	sadd.s32 $0xC400, s2  }
0x57: {  	[hbm4b:s31+s10] =	stream.linear.scatter [tilespmem:s30], [sflag:$0x2], $0x80, $0x38;
	[tilespmem:$0x19000] =	vst v63  }
0x58: {  	s17 =	sshrl.u32 s8, $0x3;
	s5 =	sadd.s32 $0x100, s26;
	s2 =	sadd.s32 $0xC800, s2  }
0x59: {  	[hbm4b:s5+s10] =	stream.linear.scatter [tilespmem:s2], [sflag:$0x2], $0x80, $0x38;
	[tilespmem:$0x19000] =	vst v63  }
0x5a: {  	s5 =	smul.u32 $0x3000, s17  }
0x5b: {  	(v2sf) =	vpush v0, $0x6;
	s2 =	sshll.u32 s8, $0x7  }
0x5c: {  	s2 =	sand.u32 $0x380, s2;
	s5 =	sshra.s32 s5, $0x2  }
0x5d: {  	s2 =	sor.u32 s2, s5  }
0x5e: {  	s22 =	sadd.s32 s9, s15;
	s24 =	sadd.s32 $0xC000, s2  }
0x5f: {  	[hbm4b:s22+s10] =	stream.linear.scatter [tilespmem:s24], [sflag:$0x2], $0x80, $0x38;
	[tilespmem:$0x19000] =	vst v63  }
0x60: {  	s26 =	sadd.s32 $0x80, s22;
	s29 =	spop (v2sf);
	s25 =	sadd.s32 $0xC400, s2  }
0x61: {  	[hbm4b:s26+s10] =	stream.linear.scatter [tilespmem:s25], [sflag:$0x2], $0x80, $0x38;
	[tilespmem:$0x19000] =	vst v63  }
0x62: {  	s30 =	sshrl.u32 s29, $0x3;
	s5 =	sadd.s32 $0x100, s22;
	s2 =	sadd.s32 $0xC800, s2  }
0x63: {  	[hbm4b:s5+s10] =	stream.linear.scatter [tilespmem:s2], [sflag:$0x2], $0x80, $0x38;
	[tilespmem:$0x19000] =	vst v63  }
0x64: {  	s5 =	smul.u32 $0x3000, s30  }
0x65: {  	(v2sf) =	vpush v0, $0x7;
	s2 =	sshll.u32 s29, $0x7  }
0x66: {  	s2 =	sand.u32 $0x380, s2;
	s5 =	sshra.s32 s5, $0x2  }
0x67: {  	s2 =	sor.u32 s2, s5  }
0x68: {  	s31 =	sadd.s32 s9, s19;
	s8 =	sadd.s32 $0xC000, s2  }
0x69: {  	[hbm4b:s31+s10] =	stream.linear.scatter [tilespmem:s8], [sflag:$0x2], $0x80, $0x38;
	[tilespmem:$0x19000] =	vst v63  }
0x6a: {  	s22 =	sadd.s32 $0x80, s31;
	s24 =	spop (v2sf);
	s17 =	sadd.s32 $0xC400, s2  }
0x6b: {  	[hbm4b:s22+s10] =	stream.linear.scatter [tilespmem:s17], [sflag:$0x2], $0x80, $0x38;
	[tilespmem:$0x19000] =	vst v63  }
0x6c: {  	s25 =	sshrl.u32 s24, $0x3;
	s5 =	sadd.s32 $0x100, s31;
	s2 =	sadd.s32 $0xC800, s2  }
0x6d: {  	(v2sf) =	vpush v0, $0x8;
	[hbm4b:s5+s10] =	stream.linear.scatter [tilespmem:s2], [sflag:$0x2], $0x80, $0x38;
	[tilespmem:$0x19000] =	vst v63  }
0x6e: {  	s5 =	smul.u32 $0x3000, s25  }
0x6f: {  	s2 =	sshll.u32 s24, $0x7  }
0x70: {  	s2 =	sand.u32 $0x380, s2;
	s5 =	sshra.s32 s5, $0x2  }
0x71: {  	s2 =	sor.u32 s2, s5  }
0x72: {  	s26 =	sadd.s32 s9, s20;
	s29 =	sadd.s32 $0xC000, s2  }
0x73: {  	[hbm4b:s26+s10] =	stream.linear.scatter [tilespmem:s29], [sflag:$0x2], $0x80, $0x38;
	[tilespmem:$0x19000] =	vst v63  }
0x74: {  	s31 =	sadd.s32 $0x80, s26;
	s8 =	spop (v2sf);
	s30 =	sadd.s32 $0xC400, s2  }
0x75: {  	[hbm4b:s31+s10] =	stream.linear.scatter [tilespmem:s30], [sflag:$0x2], $0x80, $0x38;
	[tilespmem:$0x19000] =	vst v63  }
0x76: {  	s17 =	sshrl.u32 s8, $0x3;
	s5 =	sadd.s32 $0x100, s26;
	s2 =	sadd.s32 $0xC800, s2  }
0x77: {  	[hbm4b:s5+s10] =	stream.linear.scatter [tilespmem:s2], [sflag:$0x2], $0x80, $0x38;
	[tilespmem:$0x19000] =	vst v63  }
0x78: {  	(v2sf) =	vpush v0, $0x9;
	s5 =	smul.u32 $0x3000, s17  }
0x79: {  	s2 =	sshll.u32 s8, $0x7  }
0x7a: {  	s2 =	sand.u32 $0x380, s2;
	s5 =	sshra.s32 s5, $0x2  }
0x7b: {  	s22 =	sadd.s32 s9, s21;
	s2 =	sor.u32 s2, s5  }
0x7c: {  	s26 =	sadd.s32 $0x80, s22;
	s30 =	spop (v2sf);
	s24 =	sadd.s32 $0xC000, s2  }
0x7d: {  	[hbm4b:s22+s10] =	stream.linear.scatter [tilespmem:s24], [sflag:$0x2], $0x80, $0x38;
	[tilespmem:$0x19000] =	vst v63  }
0x7e: {  	s29 =	rddreg [dreg:$0x11];
	s31 =	sshrl.u32 s30, $0x3;
	s25 =	sadd.s32 $0xC400, s2  }
0x7f: {  	[hbm4b:s26+s10] =	stream.linear.scatter [tilespmem:s25], [sflag:$0x2], $0x80, $0x38;
	[tilespmem:$0x19000] =	vst v63  }
0x80: {  	s6 =	smul.u32 $0x3000, s31;
	s5 =	sadd.s32 $0x100, s22;
	s2 =	sadd.s32 $0xC800, s2  }
0x81: {  	[hbm4b:s5+s10] =	stream.linear.scatter [tilespmem:s2], [sflag:$0x2], $0x80, $0x38;
	[tilespmem:$0x19000] =	vst v63  }
0x82: {  	(v2sf) =	vpush v0, $0xA;
	s2 =	sadd.s32 s4, s29;
	s5 =	sshll.u32 s30, $0x7  }
0x83: {  	s6 =	sshra.s32 s6, $0x2;
	s2 =	sadd.s32 s7, s2;
	s5 =	sand.u32 $0x380, s5  }
0x84: {  	s4 =	sshrl.u32 s2, $0x3;
	s8 =	sor.u32 s5, s6  }
0x85: {  	s9 =	sadd.s32 s13, s4;
	s6 =	sadd.s32 $0xC000, s8  }
0x86: {  	[hbm4b:s9+s10] =	stream.linear.scatter [tilespmem:s6], [sflag:$0x2], $0x80, $0x38;
	[tilespmem:$0x19000] =	vst v63  }
0x87: {  	s24 =	spop (v2sf);
	s17 =	sadd.s32 $0xC400, s8;
	s22 =	sadd.s32 $0x80, s9  }
0x88: {  	[hbm4b:s22+s10] =	stream.linear.scatter [tilespmem:s17], [sflag:$0x2], $0x80, $0x38;
	[tilespmem:$0x19000] =	vst v63  }
0x89: {  	s25 =	sshrl.u32 s24, $0x3;
	s2 =	sadd.s32 $0xC800, s8;
	s5 =	sadd.s32 $0x100, s9  }
0x8a: {  	[hbm4b:s5+s10] =	stream.linear.scatter [tilespmem:s2], [sflag:$0x2], $0x80, $0x38;
	[tilespmem:$0x19000] =	vst v63  }
0x8b: {  	s5 =	smul.u32 $0x3000, s25  }
0x8c: {  	(v2sf) =	vpush v0, $0xB;
	s2 =	sshll.u32 s24, $0x7  }
0x8d: {  	s2 =	sand.u32 $0x380, s2;
	s5 =	sshra.s32 s5, $0x2  }
0x8e: {  	s2 =	sor.u32 s2, s5  }
0x8f: {  	s26 =	sadd.s32 s4, s3;
	s29 =	sadd.s32 $0xC000, s2  }
0x90: {  	[hbm4b:s26+s10] =	stream.linear.scatter [tilespmem:s29], [sflag:$0x2], $0x80, $0x38;
	[tilespmem:$0x19000] =	vst v63  }
0x91: {  	s31 =	sadd.s32 $0x80, s26;
	s6 =	spop (v2sf);
	s30 =	sadd.s32 $0xC400, s2  }
0x92: {  	[hbm4b:s31+s10] =	stream.linear.scatter [tilespmem:s30], [sflag:$0x2], $0x80, $0x38;
	[tilespmem:$0x19000] =	vst v63  }
0x93: {  	s7 =	sshrl.u32 s6, $0x3;
	s5 =	sadd.s32 $0x100, s26;
	s2 =	sadd.s32 $0xC800, s2  }
0x94: {  	[hbm4b:s5+s10] =	stream.linear.scatter [tilespmem:s2], [sflag:$0x2], $0x80, $0x38;
	[tilespmem:$0x19000] =	vst v63  }
0x95: {  	s5 =	smul.u32 $0x3000, s7  }
0x96: {  	(v2sf) =	vpush v0, $0xC;
	s2 =	sshll.u32 s6, $0x7  }
0x97: {  	s2 =	sand.u32 $0x380, s2;
	s5 =	sshra.s32 s5, $0x2  }
0x98: {  	s2 =	sor.u32 s2, s5  }
0x99: {  	s8 =	sadd.s32 s4, s16;
	s9 =	sadd.s32 $0xC000, s2  }
0x9a: {  	[hbm4b:s8+s10] =	stream.linear.scatter [tilespmem:s9], [sflag:$0x2], $0x80, $0x38;
	[tilespmem:$0x19000] =	vst v63  }
0x9b: {  	s22 =	sadd.s32 $0x80, s8;
	s24 =	spop (v2sf);
	s17 =	sadd.s32 $0xC400, s2  }
0x9c: {  	[hbm4b:s22+s10] =	stream.linear.scatter [tilespmem:s17], [sflag:$0x2], $0x80, $0x38;
	[tilespmem:$0x19000] =	vst v63  }
0x9d: {  	s25 =	sshrl.u32 s24, $0x3;
	s5 =	sadd.s32 $0x100, s8;
	s2 =	sadd.s32 $0xC800, s2  }
0x9e: {  	[hbm4b:s5+s10] =	stream.linear.scatter [tilespmem:s2], [sflag:$0x2], $0x80, $0x38;
	[tilespmem:$0x19000] =	vst v63  }
0x9f: {  	s5 =	smul.u32 $0x3000, s25  }
0xa0: {  	(v2sf) =	vpush v0, $0xD;
	s2 =	sshll.u32 s24, $0x7  }
0xa1: {  	s2 =	sand.u32 $0x380, s2;
	s5 =	sshra.s32 s5, $0x2  }
0xa2: {  	s2 =	sor.u32 s2, s5  }
0xa3: {  	s26 =	sadd.s32 s4, s14;
	s29 =	sadd.s32 $0xC000, s2  }
0xa4: {  	[hbm4b:s26+s10] =	stream.linear.scatter [tilespmem:s29], [sflag:$0x2], $0x80, $0x38;
	[tilespmem:$0x19000] =	vst v63  }
0xa5: {  	s31 =	sadd.s32 $0x80, s26;
	s6 =	spop (v2sf);
	s30 =	sadd.s32 $0xC400, s2  }
0xa6: {  	[hbm4b:s31+s10] =	stream.linear.scatter [tilespmem:s30], [sflag:$0x2], $0x80, $0x38;
	[tilespmem:$0x19000] =	vst v63  }
0xa7: {  	s7 =	sshrl.u32 s6, $0x3;
	s5 =	sadd.s32 $0x100, s26;
	s2 =	sadd.s32 $0xC800, s2  }
0xa8: {  	[hbm4b:s5+s10] =	stream.linear.scatter [tilespmem:s2], [sflag:$0x2], $0x80, $0x38;
	[tilespmem:$0x19000] =	vst v63  }
0xa9: {  	s5 =	smul.u32 $0x3000, s7  }
0xaa: {  	(v2sf) =	vpush v0, $0xE;
	s2 =	sshll.u32 s6, $0x7  }
0xab: {  	s2 =	sand.u32 $0x380, s2;
	s5 =	sshra.s32 s5, $0x2  }
0xac: {  	s2 =	sor.u32 s2, s5  }
0xad: {  	s8 =	sadd.s32 s4, s15;
	s9 =	sadd.s32 $0xC000, s2  }
0xae: {  	[hbm4b:s8+s10] =	stream.linear.scatter [tilespmem:s9], [sflag:$0x2], $0x80, $0x38;
	[tilespmem:$0x19000] =	vst v63  }
0xaf: {  	s22 =	sadd.s32 $0x80, s8;
	s24 =	spop (v2sf);
	s17 =	sadd.s32 $0xC400, s2  }
0xb0: {  	[hbm4b:s22+s10] =	stream.linear.scatter [tilespmem:s17], [sflag:$0x2], $0x80, $0x38;
	[tilespmem:$0x19000] =	vst v63  }
0xb1: {  	s25 =	sshrl.u32 s24, $0x3;
	s5 =	sadd.s32 $0x100, s8;
	s2 =	sadd.s32 $0xC800, s2  }
0xb2: {  	[hbm4b:s5+s10] =	stream.linear.scatter [tilespmem:s2], [sflag:$0x2], $0x80, $0x38;
	[tilespmem:$0x19000] =	vst v63  }
0xb3: {  	s5 =	smul.u32 $0x3000, s25  }
0xb4: {  	(v2sf) =	vpush v0, $0xF;
	s2 =	sshll.u32 s24, $0x7  }
0xb5: {  	s2 =	sand.u32 $0x380, s2;
	s5 =	sshra.s32 s5, $0x2  }
0xb6: {  	s2 =	sor.u32 s2, s5  }
0xb7: {  	s26 =	sadd.s32 s4, s19;
	s29 =	sadd.s32 $0xC000, s2  }
0xb8: {  	[hbm4b:s26+s10] =	stream.linear.scatter [tilespmem:s29], [sflag:$0x2], $0x80, $0x38;
	[tilespmem:$0x19000] =	vst v63  }
0xb9: {  	s31 =	sadd.s32 $0x80, s26;
	s7 =	spop (v2sf);
	s30 =	sadd.s32 $0xC400, s2  }
0xba: {  	[hbm4b:s31+s10] =	stream.linear.scatter [tilespmem:s30], [sflag:$0x2], $0x80, $0x38;
	[tilespmem:$0x19000] =	vst v63  }
0xbb: {  	s8 =	sshrl.u32 s7, $0x3;
	s5 =	sadd.s32 $0x100, s26;
	s2 =	sadd.s32 $0xC800, s2  }
0xbc: {  	[hbm4b:s5+s10] =	stream.linear.scatter [tilespmem:s2], [sflag:$0x2], $0x80, $0x38;
	[tilespmem:$0x19000] =	vst v63  }
0xbd: {  	s2 =	smul.u32 $0x3000, s8  }
0xbe: {  	s9 =	sshll.u32 s7, $0x7  }
0xbf: {  	s5 =	sand.u32 $0x380, s9;
	s2 =	sshra.s32 s2, $0x2  }
0xc0: {  	s2 =	sor.u32 s5, s2  }
0xc1: {  	s17 =	sadd.s32 s4, s20;
	s22 =	sadd.s32 $0xC000, s2  }
0xc2: {  	[hbm4b:s17+s10] =	stream.linear.scatter [tilespmem:s22], [sflag:$0x2], $0x80, $0x38;
	[tilespmem:$0x19000] =	vst v63  }
0xc3: {  	s25 =	sadd.s32 $0x80, s17;
	s26 =	spop (v2sf);
	s24 =	sadd.s32 $0xC400, s2  }
0xc4: {  	[hbm4b:s25+s10] =	stream.linear.scatter [tilespmem:s24], [sflag:$0x2], $0x80, $0x38;
	[tilespmem:$0x19000] =	vst v63  }
0xc5: {  	s29 =	sshrl.u32 s26, $0x3;
	s5 =	sadd.s32 $0x100, s17;
	s2 =	sadd.s32 $0xC800, s2  }
0xc6: {  	[hbm4b:s5+s10] =	stream.linear.scatter [tilespmem:s2], [sflag:$0x2], $0x80, $0x38;
	[tilespmem:$0x19000] =	vst v63  }
0xc7: {  	s5 =	smul.u32 $0x3000, s29  }
0xc8: {  	s2 =	sshll.u32 s26, $0x7  }
0xc9: {  	s2 =	sand.u32 $0x380, s2;
	s5 =	sshra.s32 s5, $0x2  }
0xca: {  	s2 =	sor.u32 s2, s5  }
0xcb: {  	p0 =	sne.s32 s1, $0x7F;
	s4 =	sadd.s32 s4, s21;
	s5 =	sadd.s32 $0xC000, s2  }
0xcc: {  	[hbm4b:s4+s10] =	stream.linear.scatter [tilespmem:s5], [sflag:$0x2], $0x80, $0x38;
	[tilespmem:$0x19000] =	vst v63  }
.Ltmp0:
0xcd: {  	_ = 	snop;
	(pc) =	sbr.rel @p0 .LBB2_2-.Ltmp0, $4  }
0xce: {  	s0 =	sadd.s32 $0x10, s0;
	s31 =	sadd.s32 $0x80, s4;
	s30 =	sadd.s32 $0xC400, s2  }
0xcf: {  	[hbm4b:s31+s10] =	stream.linear.scatter [tilespmem:s30], [sflag:$0x2], $0x80, $0x38;
	[tilespmem:$0x19000] =	vst v63  }
0xd0: {  	s1 =	sadd.s32 $0x1, s1;
	s2 =	sadd.s32 $0xC800, s2;
	s4 =	sadd.s32 $0x100, s4  }
0xd1: {  	[hbm4b:s4+s10] =	stream.linear.scatter [tilespmem:s2], [sflag:$0x2], $0x80, $0x38;
	[tilespmem:$0x19000] =	vst v63  }
0xd2: {  	s0 =	simm.s32 $0x3  }
0xd3: {  	_ =	swait.ge [sflag:s0], $0x1800  }
0xd4: {  	[sflag:s0] =	ssyncset.done $0x0  }
0xd5: {  	[sflag:s0] =	ssyncadd.s32 $0xFFFFE800  }
0xd6: {  	[bflag:$0x0] =	sbarrier.arrive $0xFFFF  }
0xd7: {  	s17 =	rddreg [dreg:$0x5]  }
0xd8: {  	s0 =	sadd.s32 $0x0, s17  }
0xd9: {  	s1 =	simm.s32 $0x0;
	s2 =	sshll.u32 s0, $0x7  }
0xda: {  	s1 =	sand.u32 $0x70, s1;
	s2 =	sand.u32 $0x3FFFFF80, s2  }
0xdb: {  	s2 =	sor.u32 s1, s2  }
0xdc: {  	v0 =	vld [tilespmem:s2+$0x18000];
	_ =	sdelay $0x4  }
0xdd: {  	(v2sf) =	vpush v0, $0x6  }
0xde: {  	(v2sf) =	vpush v0, $0x0;
	_ =	sdelay $0x1  }
0xdf: {  	(v2sf) =	vpush v0, $0x3  }
0xe0: {  	(v2sf) =	vpush v0, $0x2;
	_ =	sdelay $0x1  }
0xe1: {  	(v2sf) =	vpush v0, $0xA  }
0xe2: {  	(v2sf) =	vpush v0, $0x7;
	_ =	sdelay $0x1  }
0xe3: {  	(v2sf) =	vpush v0, $0x4  }
0xe4: {  	s19 =	sshrl.u32 s1, $0x3;
	s1 =	smul.u32 $0x240000, s0  }
0xe5: {  	s2 =	smul.u32 $0x24000, s19;
	(v2sf) =	vpush v0, $0x1  }
0xe6: {  	s0 =	sor.u32 s11, s1  }
0xe7: {  	s21 =	rddreg [dreg:$0x14];
	s0 =	sadd.s32 s2, s0  }
0xe8: {  	s4 =	simm.s32 $0x1;
	[dreg:$0xf] =	wrdreg s2;
	s24 =	sshrl.u32 s0, $0x3  }
0xe9: {  	s0 =	sor.u32 $0x1C01, s21;
	s25 =	sadd.s32 s24, s20;
	s20 =	spop (v2sf)  }
0xea: {  	s21 =	simm.s32 $0x10;
	s11 =	sadd.s32 s13, s24;
	s5 =	spop (v2sf)  }
0xeb: {  	s9 =	sshrl.u32 s20, $0x3;
	s2 =	sshll.u32 s20, $0x7;
	s8 =	sshll.u32 s5, $0x7  }
0xec: {  	s10 =	spop (v2sf);
	s5 =	sshrl.u32 s5, $0x3;
	s19 =	sand.u32 $0x380, s2  }
0xed: {  	s9 =	smul.u32 $0x30000, s9;
	s12 =	sshrl.u32 s10, $0x3;
	s22 =	spop (v2sf)  }
0xee: {  	s6 =	smul.u32 $0x30000, s5;
	s10 =	sshll.u32 s10, $0x7;
	s8 =	sand.u32 $0x380, s8  }
0xef: {  	s5 =	sadd.s32 s24, s3;
	s29 =	sshrl.u32 s22, $0x3;
	s7 =	spop (v2sf)  }
0xf0: {  	s12 =	smul.u32 $0x30000, s12;
	s2 =	sand.u32 $0x380, s10;
	s14 =	spop (v2sf)  }
0xf1: {  	s17 =	sshll.u32 s22, $0x7;
	s15 =	sshrl.u32 s14, $0x3;
	s26 =	sshll.u32 s14, $0x7  }
0xf2: {  	s10 =	sshra.s32 s12, $0x2;
	s20 =	spop (v2sf);
	s12 =	smul.u32 $0x30000, s29  }
0xf3: {  	s22 =	sshrl.u32 s20, $0x3;
	s31 =	sshll.u32 s20, $0x7;
	s20 =	sshrl.u32 s7, $0x3  }
0xf4: {  	s13 =	spop (v2sf);
	s30 =	sadd.s32 s10, s18;
	s10 =	smul.u32 $0x30000, s15  }
0xf5: {  	(v2sf) =	vpush v0, $0x5;
	s29 =	sshrl.u32 s13, $0x3;
	s2 =	sadd.s32 s2, s30;
	s30 =	sadd.s32 s24, s16  }
0xf6: {  	(v2sf) =	vpush v0, $0x9;
	s15 =	sshll.u32 s13, $0x7;
	s13 =	sand.u32 $0x380, s17;
	s14 =	smul.u32 $0x30000, s29  }
.LBB2_4:
0xf7: {  	_ =	sdelay $0x6  }
0xf8: {  	s15 =	sand.u32 $0x380, s15;
	s12 =	sshra.s32 s12, $0x2  }
0xf9: {  	s26 =	sand.u32 $0x380, s26;
	s2 =	sshrl.u32 s2, $0x3;
	s22 =	smul.u32 $0x30000, s22  }
0xfa: {  	s9 =	sshra.s32 s9, $0x2;
	s20 =	smul.u32 $0x30000, s20;
	s14 =	sshra.s32 s14, $0x2  }
0xfb: {  	s16 =	sshra.s32 s10, $0x2;
	s10 =	smov.u32 s4;
	s6 =	sshra.s32 s6, $0x2  }
0xfc: {  	(v2sf) =	vpush v0, $0xB;
	s12 =	sadd.s32 s12, s18;
	s14 =	sadd.s32 s14, s18;
	s16 =	sadd.s32 s16, s18  }
0xfd: {  	s6 =	sadd.s32 s6, s18;
	s12 =	sadd.s32 s13, s12;
	s14 =	sadd.s32 s15, s14  }
0xfe: {  	s15 =	sadd.s32 s26, s16;
	s6 =	sadd.s32 s8, s6;
	s29 =	spop (v2sf)  }
0xff: {  	s8 =	sshrl.u32 s12, $0x3;
	s12 =	sand.u32 $0x380, s31;
	s17 =	sshrl.u32 s29, $0x3  }
0x100: {  	s26 =	sshrl.u32 s15, $0x3;
	s14 =	sshrl.u32 s14, $0x3;
	(v2sf) =	vpush v0, $0xE;
	s3 =	smul.u32 $0x30000, s17  }
0x101: {  	s6 =	sshrl.u32 s6, $0x3;
	s16 =	sshll.u32 s29, $0x7;
	(v2sf) =	vpush v0, $0xD;
	s29 =	rddreg [dreg:$0xa]  }
0x102: {  	s17 =	spop (v2sf);
	(v2sf) =	vpush v0, $0xC;
	s13 =	sshra.s32 s3, $0x2;
	s3 =	rddreg [dreg:$0x9]  }
0x103: {  	[hbm:s11@s28], [sflag:s0] =	dma.strided [spmem:s6@s28], $0x300, s23, $0x10   }
0x104: {  	s15 =	sand.u32 $0x380, s16;
	s31 =	sadd.s32 s24, s29;
	s16 =	sadd.s32 s24, s3  }
0x105: {  	[hbm:s5@s28], [sflag:s0] =	dma.strided [spmem:s14@s28], $0x300, s23, $0x10   }
0x106: {  	s13 =	sadd.s32 s13, s18;
	s14 =	sshra.s32 s22, $0x2;
	s5 =	sshra.s32 s20, $0x2  }
0x107: {  	[hbm:s30@s28], [sflag:s0] =	dma.strided [spmem:s8@s28], $0x300, s23, $0x10   }
0x108: {  	s6 =	sadd.s32 s15, s13;
	s8 =	sadd.s32 s9, s18;
	s13 =	sshrl.u32 s17, $0x3  }
0x109: {  	s15 =	sshll.u32 s17, $0x7;
	s9 =	sadd.s32 s14, s18;
	s5 =	sadd.s32 s5, s18  }
0x10a: {  	s17 =	smul.u32 $0x30000, s13;
	s11 =	sand.u32 $0x380, s15;
	s9 =	sadd.s32 s12, s9  }
0x10b: {  	s8 =	sadd.s32 s19, s8;
	s22 =	spop (v2sf);
	s6 =	sshrl.u32 s6, $0x3  }
0x10c: {  	[hbm:s16@s28], [sflag:s0] =	dma.strided [spmem:s2@s28], $0x300, s23, $0x10   }
0x10d: {  	s14 =	sshrl.u32 s9, $0x3;
	s15 =	sshrl.u32 s22, $0x3;
	s9 =	sshll.u32 s22, $0x7  }
0x10e: {  	s8 =	sshrl.u32 s8, $0x3;
	(v2sf) =	vpush v0, $0x8;
	s16 =	sshra.s32 s17, $0x2;
	s17 =	smul.u32 $0x30000, s15  }
0x10f: {  	[hbm:s31@s28], [sflag:s0] =	dma.strided [spmem:s14@s28], $0x300, s23, $0x10   }
0x110: {  	s15 =	sshll.u32 s7, $0x7;
	s9 =	sand.u32 $0x380, s9;
	s2 =	sadd.s32 s16, s18  }
0x111: {  	s15 =	sand.u32 $0x380, s15;
	s20 =	sshra.s32 s17, $0x2;
	s30 =	rddreg [dreg:$0x8]  }
0x112: {  	s2 =	sadd.s32 s11, s2;
	s5 =	sadd.s32 s15, s5;
	s7 =	sadd.s32 s20, s18  }
0x113: {  	s17 =	sadd.s32 s24, s30;
	s5 =	sshrl.u32 s5, $0x3;
	s7 =	sadd.s32 s9, s7  }
0x114: {  	s2 =	sshrl.u32 s2, $0x3;
	s7 =	sshrl.u32 s7, $0x3;
	s13 =	spop (v2sf)  }
0x115: {  	s19 =	spop (v2sf);
	s20 =	sshrl.u32 s13, $0x3;
	s13 =	sshll.u32 s13, $0x7  }
0x116: {  	(v2sf) =	vpush v0, $0xF;
	s12 =	sshrl.u32 s19, $0x3;
	s16 =	spop (v2sf);
	s14 =	sshll.u32 s19, $0x7  }
0x117: {  	[hbm:s17@s28], [sflag:s0] =	dma.strided [spmem:s6@s28], $0x300, s23, $0x10   }
0x118: {  	s22 =	sshrl.u32 s16, $0x3;
	s14 =	sand.u32 $0x380, s14;
	s12 =	smul.u32 $0x30000, s12  }
0x119: {  	[hbm:s25@s28], [sflag:s0] =	dma.strided [spmem:s8@s28], $0x300, s23, $0x10   }
0x11a: {  	s16 =	sshll.u32 s16, $0x7;
	s19 =	smul.u32 $0x30000, s22;
	s22 =	rddreg [dreg:$0x7]  }
0x11b: {  	s12 =	sshra.s32 s12, $0x2;
	s6 =	sadd.s32 s24, s22;
	s24 =	smul.u32 $0x30000, s20  }
0x11c: {  	s16 =	sand.u32 $0x380, s16;
	s19 =	sshra.s32 s19, $0x2;
	s12 =	sadd.s32 s12, s18  }
0x11d: {  	s8 =	sadd.s32 s19, s18;
	s11 =	sadd.s32 s14, s12;
	s17 =	sshra.s32 s24, $0x2  }
0x11e: {  	s8 =	sadd.s32 s16, s8;
	s11 =	sshrl.u32 s11, $0x3;
	s19 =	spop (v2sf)  }
0x11f: {  	[hbm:s6@s28], [sflag:s0] =	dma.strided [spmem:s26@s28], $0x300, s23, $0x10   }
0x120: {  	s25 =	sadd.s32 s17, s18;
	s17 =	sand.u32 $0x380, s13;
	s20 =	sshrl.u32 s19, $0x3  }
0x121: {  	s8 =	sshrl.u32 s8, $0x3;
	s6 =	rddreg [dreg:$0x6];
	s14 =	smul.u32 $0x30000, s20  }
0x122: {  	s12 =	sadd.s32 s17, s25;
	s26 =	rddreg [dreg:$0xf];
	s6 =	sor.u32 s1, s6  }
0x123: {  	s13 =	sshll.u32 s19, $0x7;
	s1 =	sadd.s32 s26, s6;
	s14 =	sshra.s32 s14, $0x2  }
0x124: {  	s13 =	sand.u32 $0x380, s13;
	s1 =	sshrl.u32 s1, $0x3;
	s14 =	sadd.s32 s14, s18  }
0x125: {  	s13 =	sadd.s32 s13, s14;
	s14 =	sadd.s32 s1, s30;
	s24 =	spop (v2sf)  }
0x126: {  	s19 =	sadd.s32 s1, s29;
	s29 =	rddreg [dreg:$0xc];
	s25 =	sshrl.u32 s24, $0x3  }
0x127: {  	s17 =	sadd.s32 s1, s3;
	s30 =	rddreg [dreg:$0xd];
	s16 =	smul.u32 $0x30000, s25  }
0x128: {  	s13 =	sshrl.u32 s13, $0x3;
	s15 =	sshll.u32 s24, $0x7;
	s25 =	rddreg [dreg:$0x2]  }
0x129: {  	s6 =	sand.u32 $0x380, s15;
	s20 =	sadd.s32 s25, s1;
	s15 =	sshra.s32 s16, $0x2  }
0x12a: {  	[hbm:s20@s28], [sflag:s0] =	dma.strided [spmem:s13@s28], $0x300, s23, $0x10   }
0x12b: {  	s3 =	sadd.s32 s1, s30;
	s24 =	sadd.s32 s1, s29;
	s26 =	sadd.s32 s15, s18  }
0x12c: {  	[hbm:s3@s28], [sflag:s0] =	dma.strided [spmem:s2@s28], $0x300, s23, $0x10   }
0x12d: {  	[hbm:s24@s28], [sflag:s0] =	dma.strided [spmem:s5@s28], $0x300, s23, $0x10   }
0x12e: {  	[hbm:s17@s28], [sflag:s0] =	dma.strided [spmem:s7@s28], $0x300, s23, $0x10   }
0x12f: {  	[hbm:s19@s28], [sflag:s0] =	dma.strided [spmem:s8@s28], $0x300, s23, $0x10   }
0x130: {  	[hbm:s14@s28], [sflag:s0] =	dma.strided [spmem:s11@s28], $0x300, s23, $0x10   }
0x131: {  	s12 =	sshrl.u32 s12, $0x3;
	s6 =	sadd.s32 s6, s26;
	s20 =	rddreg [dreg:$0xb]  }
0x132: {  	s26 =	sshrl.u32 s6, $0x3;
	s24 =	sadd.s32 s1, s20;
	s1 =	sadd.s32 s1, s22  }
0x133: {  	[hbm:s24@s28], [sflag:s0] =	dma.strided [spmem:s12@s28], $0x300, s23, $0x10   }
0x134: {  	[hbm:s1@s28], [sflag:s0] =	dma.strided [spmem:s26@s28], $0x300, s23, $0x10   }
0x135: {  	s5 =	sshrl.u32 s10, $0x3;
	s6 =	rddreg [dreg:$0x5]  }
0x136: {  	s2 =	sadd.s32 s6, s5  }
0x137: {  	s1 =	sshll.u32 s2, $0x7  }
0x138: {  	s7 =	sand.u32 $0x70, s21;
	s1 =	sand.u32 $0x3FFFFF80, s1  }
0x139: {  	s1 =	sor.u32 s7, s1  }
0x13a: {  	v0 =	vld [tilespmem:s1+$0x18000];
	_ =	sdelay $0x4  }
0x13b: {  	(v2sf) =	vpush v0, $0x6  }
0x13c: {  	(v2sf) =	vpush v0, $0x0  }
0x13d: {  	(v2sf) =	vpush v0, $0x3;
	_ =	sdelay $0x1  }
0x13e: {  	(v2sf) =	vpush v0, $0x2;
	_ =	sdelay $0x1  }
0x13f: {  	(v2sf) =	vpush v0, $0xA;
	_ =	sdelay $0x1  }
0x140: {  	(v2sf) =	vpush v0, $0x7;
	_ =	sdelay $0x1  }
0x141: {  	s8 =	sshrl.u32 s7, $0x3;
	s1 =	smul.u32 $0x240000, s2;
	(v2sf) =	vpush v0, $0x4  }
0x142: {  	s9 =	rddreg [dreg:$0xe];
	s5 =	smul.u32 $0x24000, s8;
	(v2sf) =	vpush v0, $0x1  }
0x143: {  	s2 =	sor.u32 s9, s1  }
0x144: {  	p0 =	sne.s32 s4, $0xF;
	s2 =	sadd.s32 s5, s2  }
0x145: {  	s4 =	sadd.s32 $0x1, s4;
	s21 =	sadd.s32 $0x10, s21;
	s24 =	sshrl.u32 s2, $0x3  }
0x146: {  	[dreg:$0xf] =	wrdreg s5;
	s11 =	sadd.s32 s25, s24;
	s10 =	spop (v2sf)  }
0x147: {  	s25 =	sadd.s32 s24, s20;
	s12 =	spop (v2sf);
	s16 =	sshrl.u32 s10, $0x3  }
0x148: {  	s2 =	sshll.u32 s10, $0x7;
	s13 =	sshll.u32 s12, $0x7;
	s17 =	spop (v2sf)  }
0x149: {  	s5 =	sshrl.u32 s12, $0x3;
	s9 =	smul.u32 $0x30000, s16;
	s19 =	sshrl.u32 s17, $0x3  }
0x14a: {  	s20 =	spop (v2sf);
	s6 =	smul.u32 $0x30000, s5;
	s10 =	sshll.u32 s17, $0x7  }
0x14b: {  	s8 =	sand.u32 $0x380, s13;
	s5 =	sadd.s32 s24, s30;
	s30 =	sadd.s32 s24, s29  }
0x14c: {  	s22 =	sshrl.u32 s20, $0x3;
	s7 =	spop (v2sf);
	s12 =	smul.u32 $0x30000, s19  }
0x14d: {  	s19 =	sand.u32 $0x380, s2;
	s2 =	sand.u32 $0x380, s10;
	s13 =	sshll.u32 s20, $0x7  }
0x14e: {  	s26 =	spop (v2sf);
	s20 =	sshrl.u32 s7, $0x3;
	s13 =	sand.u32 $0x380, s13  }
.Ltmp1:
0x14f: {  	s15 =	sshrl.u32 s26, $0x3;
	s26 =	sshll.u32 s26, $0x7;
	(pc) =	sbr.rel @p0 .LBB2_4-.Ltmp1, $4  }
0x150: {  	s3 =	sshra.s32 s12, $0x2;
	s16 =	spop (v2sf);
	s12 =	smul.u32 $0x30000, s22  }
0x151: {  	s22 =	sshrl.u32 s16, $0x3;
	s31 =	sshll.u32 s16, $0x7;
	s16 =	spop (v2sf)  }
0x152: {  	(v2sf) =	vpush v0, $0x5;
	s3 =	sadd.s32 s3, s18;
	s10 =	smul.u32 $0x30000, s15;
	s17 =	sshrl.u32 s16, $0x3  }
0x153: {  	(v2sf) =	vpush v0, $0x9;
	s15 =	sshll.u32 s16, $0x7;
	s2 =	sadd.s32 s2, s3;
	s14 =	smul.u32 $0x30000, s17  }
0x154: {  	_ =	sdelay $0x9  }
0x155: {  	(v2sf) =	vpush v0, $0xB  }
0x156: {  	s4 =	sshra.s32 s6, $0x2  }
0x157: {  	s4 =	sadd.s32 s4, s18;
	(v2sf) =	vpush v0, $0xE  }
0x158: {  	s17 =	rddreg [dreg:$0xe];
	s4 =	sadd.s32 s8, s4;
	s16 =	spop (v2sf);
	(v2sf) =	vpush v0, $0xD  }
0x159: {  	s21 =	sshra.s32 s14, $0x2;
	s4 =	sshrl.u32 s4, $0x3;
	s8 =	spop (v2sf);
	(v2sf) =	vpush v0, $0xC  }
0x15a: {  	[hbm:s11@s28], [sflag:s0] =	dma.strided [spmem:s4@s28], $0x300, s23, $0x10   }
0x15b: {  	s29 =	sand.u32 $0x380, s15;
	s4 =	sadd.s32 s21, s18  }
0x15c: {  	s4 =	sadd.s32 s29, s4  }
0x15d: {  	s3 =	sshra.s32 s12, $0x2;
	s4 =	sshrl.u32 s4, $0x3  }
0x15e: {  	[hbm:s5@s28], [sflag:s0] =	dma.strided [spmem:s4@s28], $0x300, s23, $0x10   }
0x15f: {  	s4 =	sadd.s32 s3, s18  }
0x160: {  	s4 =	sadd.s32 s13, s4  }
0x161: {  	s4 =	sshrl.u32 s4, $0x3  }
0x162: {  	[hbm:s30@s28], [sflag:s0] =	dma.strided [spmem:s4@s28], $0x300, s23, $0x10   }
0x163: {  	s14 =	rddreg [dreg:$0x9]  }
0x164: {  	s2 =	sshrl.u32 s2, $0x3;
	s6 =	spop (v2sf);
	s5 =	sadd.s32 s24, s14  }
0x165: {  	[hbm:s5@s28], [sflag:s0] =	dma.strided [spmem:s2@s28], $0x300, s23, $0x10   }
0x166: {  	s11 =	smul.u32 $0x30000, s22;
	(v2sf) =	vpush v0, $0x8  }
0x167: {  	s9 =	sshra.s32 s9, $0x2  }
0x168: {  	s15 =	sand.u32 $0x380, s31;
	s9 =	sadd.s32 s9, s18;
	s13 =	sshra.s32 s11, $0x2  }
0x169: {  	s31 =	sshra.s32 s10, $0x2;
	s9 =	sadd.s32 s19, s9;
	s4 =	sadd.s32 s13, s18  }
0x16a: {  	s12 =	sshrl.u32 s16, $0x3;
	s4 =	sadd.s32 s15, s4;
	s15 =	rddreg [dreg:$0xa]  }
0x16b: {  	s4 =	sshrl.u32 s4, $0x3;
	s2 =	smul.u32 $0x30000, s12;
	s21 =	sadd.s32 s24, s15  }
0x16c: {  	[hbm:s21@s28], [sflag:s0] =	dma.strided [spmem:s4@s28], $0x300, s23, $0x10   }
0x16d: {  	s16 =	sshll.u32 s16, $0x7;
	s2 =	sshra.s32 s2, $0x2;
	s4 =	spop (v2sf)  }
0x16e: {  	s22 =	sand.u32 $0x380, s16;
	s2 =	sadd.s32 s2, s18;
	s5 =	spop (v2sf);
	(v2sf) =	vpush v0, $0xF  }
0x16f: {  	s9 =	sshrl.u32 s9, $0x3;
	s2 =	sadd.s32 s22, s2;
	s22 =	rddreg [dreg:$0x8]  }
0x170: {  	s29 =	sshrl.u32 s2, $0x3;
	s30 =	sadd.s32 s24, s22;
	s2 =	spop (v2sf)  }
0x171: {  	[hbm:s30@s28], [sflag:s0] =	dma.strided [spmem:s29@s28], $0x300, s23, $0x10   }
0x172: {  	[hbm:s25@s28], [sflag:s0] =	dma.strided [spmem:s9@s28], $0x300, s23, $0x10   }
0x173: {  	s3 =	sand.u32 $0x380, s26;
	s9 =	sadd.s32 s31, s18  }
0x174: {  	s16 =	sshrl.u32 s8, $0x3;
	s9 =	sadd.s32 s3, s9;
	s21 =	rddreg [dreg:$0x7]  }
0x175: {  	s9 =	sshrl.u32 s9, $0x3;
	s11 =	sadd.s32 s24, s21;
	s12 =	spop (v2sf)  }
0x176: {  	[hbm:s11@s28], [sflag:s0] =	dma.strided [spmem:s9@s28], $0x300, s23, $0x10   }
0x177: {  	s7 =	sshll.u32 s7, $0x7;
	s25 =	smul.u32 $0x30000, s16;
	s13 =	sshrl.u32 s12, $0x3  }
0x178: {  	s7 =	sand.u32 $0x380, s7;
	s8 =	sshll.u32 s8, $0x7;
	s10 =	smul.u32 $0x30000, s13  }
0x179: {  	s29 =	sshra.s32 s25, $0x2;
	s11 =	sshll.u32 s12, $0x7;
	s9 =	rddreg [dreg:$0x6]  }
0x17a: {  	s19 =	rddreg [dreg:$0xf];
	s9 =	sor.u32 s1, s9;
	s10 =	sshra.s32 s10, $0x2  }
0x17b: {  	s24 =	sand.u32 $0x380, s11;
	s1 =	sadd.s32 s19, s9;
	s10 =	sadd.s32 s10, s18  }
0x17c: {  	s13 =	rddreg [dreg:$0x2];
	s1 =	sshrl.u32 s1, $0x3;
	s10 =	sadd.s32 s24, s10  }
0x17d: {  	s9 =	spop (v2sf);
	s26 =	sadd.s32 s13, s1;
	s10 =	sshrl.u32 s10, $0x3  }
0x17e: {  	[hbm:s26@s28], [sflag:s0] =	dma.strided [spmem:s10@s28], $0x300, s23, $0x10   }
0x17f: {  	s8 =	sand.u32 $0x380, s8;
	s30 =	smul.u32 $0x30000, s20;
	s10 =	sadd.s32 s29, s18  }
0x180: {  	s16 =	sshrl.u32 s6, $0x3;
	s8 =	sadd.s32 s8, s10;
	s3 =	rddreg [dreg:$0xd]  }
0x181: {  	s12 =	sshra.s32 s30, $0x2;
	s8 =	sshrl.u32 s8, $0x3;
	s31 =	sadd.s32 s1, s3  }
0x182: {  	[hbm:s31@s28], [sflag:s0] =	dma.strided [spmem:s8@s28], $0x300, s23, $0x10   }
0x183: {  	s6 =	sshll.u32 s6, $0x7;
	s19 =	smul.u32 $0x30000, s16;
	s8 =	sadd.s32 s12, s18  }
0x184: {  	s25 =	sshrl.u32 s2, $0x3;
	s7 =	sadd.s32 s7, s8;
	s16 =	rddreg [dreg:$0xc]  }
0x185: {  	s24 =	sshra.s32 s19, $0x2;
	s7 =	sshrl.u32 s7, $0x3;
	s20 =	sadd.s32 s1, s16  }
0x186: {  	[hbm:s20@s28], [sflag:s0] =	dma.strided [spmem:s7@s28], $0x300, s23, $0x10   }
0x187: {  	s6 =	sand.u32 $0x380, s6;
	s26 =	smul.u32 $0x30000, s25;
	s7 =	sadd.s32 s24, s18  }
0x188: {  	s2 =	sshll.u32 s2, $0x7;
	s29 =	sadd.s32 s1, s14;
	s6 =	sadd.s32 s6, s7  }
0x189: {  	s30 =	sshra.s32 s26, $0x2;
	s31 =	sshrl.u32 s5, $0x3;
	s6 =	sshrl.u32 s6, $0x3  }
0x18a: {  	[hbm:s29@s28], [sflag:s0] =	dma.strided [spmem:s6@s28], $0x300, s23, $0x10   }
0x18b: {  	s2 =	sand.u32 $0x380, s2;
	s8 =	smul.u32 $0x30000, s31;
	s6 =	sadd.s32 s30, s18  }
0x18c: {  	s11 =	sshll.u32 s5, $0x7;
	s19 =	sshrl.u32 s4, $0x3;
	s2 =	sadd.s32 s2, s6  }
0x18d: {  	s10 =	sadd.s32 s1, s15;
	s12 =	sshra.s32 s8, $0x2;
	s2 =	sshrl.u32 s2, $0x3  }
0x18e: {  	[hbm:s10@s28], [sflag:s0] =	dma.strided [spmem:s2@s28], $0x300, s23, $0x10   }
0x18f: {  	s20 =	smul.u32 $0x30000, s19;
	s5 =	sadd.s32 s12, s18;
	s2 =	sand.u32 $0x380, s11  }
0x190: {  	s25 =	sshll.u32 s4, $0x7;
	s2 =	sadd.s32 s2, s5  }
0x191: {  	s24 =	sadd.s32 s1, s22;
	s26 =	sshra.s32 s20, $0x2;
	s2 =	sshrl.u32 s2, $0x3  }
0x192: {  	[hbm:s24@s28], [sflag:s0] =	dma.strided [spmem:s2@s28], $0x300, s23, $0x10   }
0x193: {  	s4 =	sadd.s32 s26, s18;
	s2 =	sand.u32 $0x380, s25  }
0x194: {  	s29 =	sshrl.u32 s9, $0x3;
	s2 =	sadd.s32 s2, s4;
	s20 =	rddreg [dreg:$0xb]  }
0x195: {  	s4 =	smul.u32 $0x30000, s29;
	s2 =	sshrl.u32 s2, $0x3;
	s30 =	sadd.s32 s1, s20  }
0x196: {  	[hbm:s30@s28], [sflag:s0] =	dma.strided [spmem:s2@s28], $0x300, s23, $0x10   }
0x197: {  	s31 =	sshll.u32 s9, $0x7;
	s4 =	sshra.s32 s4, $0x2  }
0x198: {  	s2 =	sand.u32 $0x380, s31;
	s4 =	sadd.s32 s4, s18  }
0x199: {  	s2 =	sadd.s32 s2, s4  }
0x19a: {  	s19 =	smov.u32 s22;
	s1 =	sadd.s32 s1, s21;
	s2 =	sshrl.u32 s2, $0x3  }
0x19b: {  	[hbm:s1@s28], [sflag:s0] =	dma.strided [spmem:s2@s28], $0x300, s23, $0x10   }
0x19c: {  	s0 =	simm.s32 $0x800;
	s1 =	simm.s32 $0x2;
	s2 =	simm.s32 $0x1  }
.LBB2_6:
0x19d: {  	p0 =	sne.s32 s0, $0x1  }
.Ltmp2:
0x19e: {  	_ = 	snop;
	(pc) =	sbr.rel @p0 .LBB2_6-.Ltmp2, $4  }
0x19f: {  	_ = 	snop  }
0x1a0: {  	_ =	swait.ge [sflag:s1], $0x180  }
0x1a1: {  	[sflag:s1] =	ssyncset.done $0x0  }
0x1a2: {  	s0 =	sadd.s32 $0xFFFFFFFF, s0;
	[sflag:s1] =	ssyncadd.s32 $0xFFFFFE80  }
0x1a3: {  	_ =	swait.ge [sflag:s2], $0x300;
	s0 =	simm.s32 $0xFF;
	s10 =	simm.s32 $0x0  }
0x1a4: {  	s11 =	smov.u32 s17;
	[sflag:s2] =	ssyncset.done $0x0;
	s12 =	rddreg [dreg:$0x13]  }
.LBB2_8:
0x1a5: {  	p0 =	sne.s32 s0, $0x1;
	s0 =	sadd.s32 $0xFFFFFFFF, s0;
	[sflag:s2] =	ssyncadd.s32 $0xFFFFFD00  }
.Ltmp3:
0x1a6: {  	(pc) =	sbr.rel @p0 .LBB2_8-.Ltmp3, $3  }
0x1a7: {  	_ =	sdelay $0x1  }
0x1a8: {  	_ =	swait.ge [sflag:s2], $0x300  }
0x1a9: {  	[sflag:s2] =	ssyncset.done $0x0  }
0x1aa: {  	s1 =	rddreg [dreg:$0x19]  }
0x1ab: {  	s0 =	rddreg [dreg:$0x17];
	s1 =	sadd.s32 $0x1, s1  }
0x1ac: {  	p0 =	sne.s32 s1, s0  }
.Ltmp4:
0x1ad: {  	_ = 	snop;
	(pc) =	sbr.rel @p0 .LBB2_1-.Ltmp4, $2  }
0x1ae: {  	_ =	sdelay $0x2  }
0x1af: {  	[sflag:s2] =	ssyncadd.s32 $0xFFFFFD00  }
0x1b0: {  	_ =	sfence.sel $0x180000  }
0x1b1: {  	[bflag:$0x0] =	sbarrier.arrive $0xFFFF  }
0x1b2: {  	_ =	strace $0x90000047  }
0x1b3: {  	s0 =	stileid.u32;
	[bflag:$0x2] =	sbarrier.arrive $0xFFFF  }
0x1b4: {  	p0 =	sne.s32 s0, $0x0;
	s0 =	rddreg [dreg:$0x4]  }
0x1b5: {  	s0 =	sadd.s32 @!p0 $0x100000, s0  }
0x1b6: {  	[sflag:s0] =	ssyncadd.tile.s32 @!p0 $0x1;
	_ =	shalt  }
.Lfunc_end2:
_tile_overlayer_lowered:
.L_overlay_start_2:
0x1b7: {  	(tag) =	ssettag $0x2  }
0x1b8: {  	s0 =	rddreg [dreg:$0x0];
	s2 =	stileid.u32  }
0x1b9: {  	s1 =	rddreg [dreg:$0x1];
	p0 =	sne.s32 s2, $0x0  }
0x1ba: {  	s3 =	rddreg [dreg:$0x2];
	[bflag:$0x3] =	sbarrier.arrive $0xFFFF;
	s2 =	simm.s32 @!p0 $0x1C04  }
0x1bb: {  	[timem:s3], [sflag:s2] =	dma.local @!p0 [hbm:s0], s1  }
0x1bc: {  	s0 =	simm.s32 @!p0 $0x4  }
0x1bd: {  	_ =	swait.ge @!p0 [sflag:s0], s1  }
0x1be: {  	s1 =	ssub.s32 @!p0 $0x0, s1;
	[sflag:s0] =	ssyncset.done @!p0 $0x0  }
0x1bf: {  	[sflag:s0] =	ssyncadd.s32 @!p0 s1  }
0x1c0: {  	[bflag:$0x3] =	sbarrier.arrive $0xFFFF  }
0x1c1: {  	_ =	shalt  }

</sc_bundles>
